<compile_context>
chip_gen: v7x
topology: tpu7x:2x2x1
jax: 0.10.2.dev20260603
libtpu: 0.0.44.dev20260713+nightly
codegen_flags: <defaults>
</compile_context>

<pallas_src>
import functools

import numpy as np
import jax
import jax.numpy as jnp
from jax import lax
from jax.experimental import pallas as pl
from jax.experimental.pallas import tpu as pltpu
from jax.experimental.pallas import tpu_sc as plsc
from jax.sharding import Mesh, PartitionSpec as P

try:
    from jax.experimental.shard_map import shard_map
except ImportError:
    shard_map = jax.shard_map

N_CODES = 8192
HALF = N_CODES // 2
DIM = 64
DEPTH = 4
ROWS = 8192
TILE_R = 1024
NW = 32

_HI = jax.lax.Precision.HIGHEST
_DN = (((1,), (1,)), ((), ()))


def _first_argmin(dist, col):
    m = jnp.min(dist, axis=1, keepdims=True)
    idx = jnp.min(jnp.where(dist == m, col, N_CODES), axis=1, keepdims=True)
    return m, idx


def _choose(r, cbb_ref, cbn_ref, windowed):
    s = jax.lax.dot_general(r.astype(jnp.bfloat16), cbb_ref[...], _DN,
                            preferred_element_type=jnp.float32)
    in_n = jnp.sum(r * r, axis=1, keepdims=True)
    dist = (in_n + cbn_ref[...]) - 2.0 * s
    if windowed:
        col = jax.lax.broadcasted_iota(jnp.int32, (TILE_R, HALF), 1)
        m0, i0 = _first_argmin(dist[:, :HALF], col)
        m1, i1 = _first_argmin(dist[:, HALF:], col)
        i1 = i1 + HALF
        take1 = m1 < m0.astype(jnp.bfloat16).astype(jnp.float32)
        return jnp.where(take1, i1, i0), in_n
    return jnp.argmin(dist, axis=1).astype(jnp.int32)[:, None], in_n


def _depth0_body(x_ref, cbb_ref, cbn_ref, idx_ref):
    idx_ref[...] = _choose(x_ref[...], cbb_ref, cbn_ref, True)[0]


def _depth_body(windowed, rprev_ref, qprev_ref, cbb_ref, cbn_ref,
                idx_ref, r_ref, loss_ref):
    r = rprev_ref[...] - qprev_ref[:, :DIM]
    r_ref[...] = r
    idx, in_n = _choose(r, cbb_ref, cbn_ref, windowed)
    idx_ref[...] = idx
    loss_ref[0] = jnp.sum(in_n, axis=0, keepdims=True)


def _final_body(x_ref, rprev_ref, qprev_ref, out_ref, loss_ref):
    r = rprev_ref[...] - qprev_ref[:, :DIM]
    loss_ref[0] = jnp.sum(jnp.sum(r * r, axis=1, keepdims=True),
                          axis=0, keepdims=True)
    x = x_ref[...]
    agg = x - r
    out_ref[...] = x + (agg - x)


def _norms_body(c0, c1, c2, c3, out_ref):
    ones_row = jnp.ones((1, DIM), jnp.float32)
    for d, cr in enumerate((c0, c1, c2, c3)):
        cb = cr[...]
        out_ref[d:d + 1, :] = jax.lax.dot_general(
            ones_row, cb * cb, _DN, precision=_HI)


_row_spec = pl.BlockSpec((TILE_R, DIM), lambda i: (i, 0))
_q_spec = pl.BlockSpec((TILE_R, 2 * DIM), lambda i: (i, 0))
_idx_spec = pl.BlockSpec((TILE_R, 1), lambda i: (i, 0))
_loss_spec = pl.BlockSpec((1, 1, 1), lambda i: (i, 0, 0))
_cbb_spec = pl.BlockSpec((N_CODES, DIM), lambda i: (0, 0))
_cbn_spec = pl.BlockSpec((1, N_CODES), lambda i: (0, 0))
_PAR = pltpu.CompilerParams(dimension_semantics=("parallel",))


def _sc_gather(table, idx, rows):
    b_per_w = rows // NW
    mesh = plsc.VectorSubcoreMesh(core_axis_name="c", subcore_axis_name="s")

    @functools.partial(
        pl.kernel, mesh=mesh,
        out_type=jax.ShapeDtypeStruct((rows, 2 * DIM), jnp.float32),
        scratch_types=[
            pltpu.VMEM((b_per_w,), jnp.int32),
            pltpu.VMEM((b_per_w, 2 * DIM), jnp.float32),
            pltpu.SemaphoreType.DMA,
        ],
    )
    def k(table_hbm, idx_hbm, out_hbm, idx_v, rows_v, sem):
        wid = lax.axis_index("s") * 2 + lax.axis_index("c")
        base = wid * b_per_w
        pltpu.sync_copy(idx_hbm.at[pl.ds(base, b_per_w)], idx_v)
        pltpu.async_copy(table_hbm.at[idx_v], rows_v, sem).wait()
        pltpu.sync_copy(rows_v, out_hbm.at[pl.ds(base, b_per_w)])

    return k(table, idx)


def _pipeline(xf, t0, t1, t2, t3, b0, b1, b2, b3, c0, c1, c2, c3):
    rows = xf.shape[0]
    nt = rows // TILE_R
    tables = (t0, t1, t2, t3)
    cbbs = (b0, b1, b2, b3)
    cbn_all = pl.pallas_call(
        _norms_body,
        in_specs=[pl.BlockSpec((N_CODES, DIM), lambda: (0, 0))] * DEPTH,
        out_specs=pl.BlockSpec((DEPTH, N_CODES), lambda: (0, 0)),
        out_shape=jax.ShapeDtypeStruct((DEPTH, N_CODES), jnp.float32),
    )(c0, c1, c2, c3)
    cbns = [jax.lax.slice(cbn_all, (d, 0), (d + 1, N_CODES))
            for d in range(DEPTH)]
    idx_shape = jax.ShapeDtypeStruct((rows, 1), jnp.int32)
    row_shape = jax.ShapeDtypeStruct((rows, DIM), jnp.float32)
    loss_shape = jax.ShapeDtypeStruct((nt, 1, 1), jnp.float32)

    idx0 = pl.pallas_call(
        _depth0_body,
        grid=(nt,),
        in_specs=[_row_spec, _cbb_spec, _cbn_spec],
        out_specs=_idx_spec,
        out_shape=idx_shape,
        compiler_params=_PAR,
    )(xf, cbbs[0], cbns[0])
    q = _sc_gather(tables[0], idx0.reshape(rows), rows)

    rprev = xf
    idxs = [idx0]
    loss_sums = []
    for d in (1, 2, 3):
        idx_d, rprev, ls = pl.pallas_call(
            functools.partial(_depth_body, d in (0, 3)),
            grid=(nt,),
            in_specs=[_row_spec, _q_spec, _cbb_spec, _cbn_spec],
            out_specs=[_idx_spec, _row_spec, _loss_spec],
            out_shape=[idx_shape, row_shape, loss_shape],
            compiler_params=_PAR,
        )(rprev, q, cbbs[d], cbns[d])
        q = _sc_gather(tables[d], idx_d.reshape(rows), rows)
        idxs.append(idx_d)
        loss_sums.append(ls)

    quants, ls3 = pl.pallas_call(
        _final_body,
        grid=(nt,),
        in_specs=[_row_spec, _row_spec, _q_spec],
        out_specs=[_row_spec, _loss_spec],
        out_shape=[row_shape, loss_shape],
        compiler_params=_PAR,
    )(xf, rprev, q)
    loss_sums.append(ls3)

    codes = jnp.concatenate(idxs, axis=1)
    sums = jnp.stack([jnp.sum(l) for l in loss_sums])[None, :]
    return quants, codes, sums


def kernel(x, C0, C1, C2, C3):
    xf = x.reshape(ROWS, DIM)
    tables = [jnp.pad(C, ((0, 0), (0, DIM))) for C in (C0, C1, C2, C3)]
    cbs = [C[:-1] for C in (C0, C1, C2, C3)]
    cbbs = [c.astype(jnp.bfloat16) for c in cbs]

    quants, codes, sums = _pipeline(xf, *tables, *cbbs, *cbs)

    quants = quants.reshape(x.shape)
    codes = codes.reshape(x.shape[:-1] + (DEPTH,))
    loss = jnp.mean(jnp.sum(sums, axis=0) / (ROWS * DIM))
    return quants, loss, codes

# --- scband reference (transcript-rebuilt; emitter-appended) ---
"""Pipeline reference for scband-rqbottleneck-3728031613671 (READ-ONLY COPY).

The authoritative reference and input builder live on the scoring server;
editing this copy changes nothing except your own understanding.
"""

import jax, jax.numpy as jnp
import numpy as np

LATENT_SHAPE = (32, 32, 64)
CODE_SHAPE = (32, 32, 4)
N_EMBED = 8192
BATCH = 8
EMBED_DIM = int(np.prod(LATENT_SHAPE[:2]) // np.prod(CODE_SHAPE[:2]) * LATENT_SHAPE[2])
DEPTH = CODE_SHAPE[2]


def setup_inputs(seed: int = 0) -> dict:
    key = jax.random.key(seed)
    ks = jax.random.split(key, DEPTH + 1)
    x = jax.random.normal(ks[0], (BATCH,) + LATENT_SHAPE, dtype=jnp.float32)
    inputs = {"x": x}
    for i in range(DEPTH):
        # VQEmbedding weight: (n_embed + 1, embed_dim); last row is padding_idx.
        inputs["C%d" % i] = jax.random.normal(ks[i + 1], (N_EMBED + 1, EMBED_DIM), dtype=jnp.float32) * 0.02
    return inputs


def _to_code_shape(x):
    B, H, W, D = x.shape
    rH = H // CODE_SHAPE[0]
    rW = W // CODE_SHAPE[1]
    x = x.reshape(B, H // rH, rH, W // rW, rW, D)
    x = jnp.transpose(x, (0, 1, 3, 2, 4, 5))
    return x.reshape(B, H // rH, W // rW, -1)


def _to_latent_shape(x):
    B, h, w, _ = x.shape
    rH = LATENT_SHAPE[0] // h
    rW = LATENT_SHAPE[1] // w
    D = LATENT_SHAPE[2]
    x = x.reshape(B, h, w, rH, rW, D)
    x = jnp.transpose(x, (0, 1, 3, 2, 4, 5))
    return x.reshape(B, h * rH, w * rW, D)


def _vq_forward(codebook_weight, inputs):
    # compute_distances + argmin + embed lookup (VQEmbedding.forward, ema=False, no restart)
    cb = codebook_weight[:-1, :]
    flat = inputs.reshape(-1, cb.shape[1])
    in_norm = jnp.sum(flat * flat, axis=1, keepdims=True)
    cb_norm = jnp.sum(cb * cb, axis=1)[None, :]
    dist = in_norm + cb_norm - 2.0 * (flat @ cb.T)
    idx = jnp.argmin(dist, axis=1).reshape(inputs.shape[:-1])
    embeds = jnp.take(codebook_weight, idx, axis=0)
    return embeds, idx


def reference(x, C0, C1, C2, C3):
    codebooks = [C0, C1, C2, C3]
    x_r = _to_code_shape(x)
    residual = jax.lax.stop_gradient(x_r)  # x.detach().clone()
    aggregated = jnp.zeros_like(x_r)
    quant_list = []
    code_list = []
    for C in codebooks:
        quant, code = _vq_forward(C, residual)
        residual = residual - quant
        aggregated = aggregated + quant
        quant_list.append(aggregated)
        code_list.append(code[..., None])
    codes = jnp.concatenate(code_list, axis=-1)
    loss_list = [jnp.mean((x_r - jax.lax.stop_gradient(q)) ** 2) for q in quant_list]
    commitment_loss = jnp.mean(jnp.stack(loss_list))
    quants_trunc = _to_latent_shape(quant_list[-1])
    quants_trunc = x + jax.lax.stop_gradient(quants_trunc - x)  # straight-through
    return quants_trunc, commitment_loss, codes

if __name__ == "__main__":
    import jax
    _d = setup_inputs()
    print(jax.jit(kernel)(*tuple(_d.values())))

</pallas_src>

<mosaic_0001>
#map = affine_map<(d0, d1) -> (0, 0)>
#map1 = affine_map<(d0, d1) -> (0)>
module attributes {stable_mosaic.version = 14 : i64} {
  func.func @k(%arg0: i32, %arg1: i32, %arg2: memref<8193x128xf32, #tpu.memory_space<hbm>>, %arg3: memref<8192xi32, #tpu.memory_space<hbm>>, %arg4: memref<8192x128xf32, #tpu.memory_space<hbm>>, %arg5: memref<256xi32, #tpu.memory_space<vmem>>, %arg6: memref<256x128xf32, #tpu.memory_space<vmem>>, %arg7: memref<!tpu.dma_semaphore, #tpu.memory_space<semaphore_mem>>) attributes {dimension_semantics = [#tpu.dimension_semantics<core_parallel>, #tpu.dimension_semantics<subcore_parallel>], iteration_bounds = array<i64: 2, 16>, scalar_prefetch = 0 : i64, scratch_operands = 3 : i64, tpu.core_type = #tpu.core_type<sc_vector_subcore>, window_params = [{transform_indices = #map}, {transform_indices = #map1}, {transform_indices = #map}]} {
    %mul3A = arith.constant 2 : i32
    %mul3A_0 = arith.muli %arg1, %mul3A : i32
    %add3A = arith.addi %mul3A_0, %arg0 : i32
    %mul3A_1 = arith.constant 256 : i32
    %mul3A_2 = arith.muli %add3A, %mul3A_1 : i32
    "tpu.region"() ({
      %run_scoped3A = tpu.sem_alloc : memref<!tpu.dma_semaphore, #tpu.memory_space<semaphore_mem>>
      %dma_start3A_7 = tpu.memref_slice %arg3[%mul3A_2] : memref<8192xi32, #tpu.memory_space<hbm>> -> memref<256xi32, #tpu.memory_space<hbm>>
      %dma_start3A_8 = tpu.memref_slice %arg3[%mul3A_2] : memref<8192xi32, #tpu.memory_space<hbm>> -> memref<256xi32, #tpu.memory_space<hbm>>
      tpu.enqueue_dma source(%dma_start3A_8 : memref<256xi32, #tpu.memory_space<hbm>>) target(%arg5 : memref<256xi32, #tpu.memory_space<vmem>>) target_semaphore(%run_scoped3A : memref<!tpu.dma_semaphore, #tpu.memory_space<semaphore_mem>>)
      %dma_wait3A_9 = tpu.memref_slice %arg3[%mul3A_2] : memref<8192xi32, #tpu.memory_space<hbm>> -> memref<256xi32, #tpu.memory_space<hbm>>
      %dma_wait3A_10 = tpu.memref_slice %arg3[%mul3A_2] : memref<8192xi32, #tpu.memory_space<hbm>> -> memref<256xi32, #tpu.memory_space<hbm>>
      tpu.wait_dma2 semaphore(%run_scoped3A : memref<!tpu.dma_semaphore, #tpu.memory_space<semaphore_mem>>) src(%dma_wait3A_10 : memref<256xi32, #tpu.memory_space<hbm>>) dst(%arg5 : memref<256xi32, #tpu.memory_space<vmem>>)
      tpu.yield
    }) : () -> ()
    %dma_start3A = arith.constant 0 : i32
    %dma_start3A_3 = arith.constant 0 : i32
    %dma_start3A_4 = tpu.memref_slice %arg2[%dma_start3A, %dma_start3A_3] : memref<8193x128xf32, #tpu.memory_space<hbm>> -> memref<8193x128xf32, #tpu.memory_space<hbm>>
    tpu.enqueue_indirect_dma source(%dma_start3A_4 : memref<8193x128xf32, #tpu.memory_space<hbm>>) target(%arg6 : memref<256x128xf32, #tpu.memory_space<vmem>>) offsets(%arg5 : memref<256xi32, #tpu.memory_space<vmem>>) semaphore(%arg7 : memref<!tpu.dma_semaphore, #tpu.memory_space<semaphore_mem>>)
    %dma_wait3A = arith.constant 0 : i32
    %dma_wait3A_5 = arith.constant 0 : i32
    %dma_wait3A_6 = tpu.memref_slice %arg2[%dma_wait3A, %dma_wait3A_5] : memref<8193x128xf32, #tpu.memory_space<hbm>> -> memref<8193x128xf32, #tpu.memory_space<hbm>>
    tpu.wait_indirect_dma semaphore(%arg7 : memref<!tpu.dma_semaphore, #tpu.memory_space<semaphore_mem>>) src(%dma_wait3A_6 : memref<8193x128xf32, #tpu.memory_space<hbm>>) dst(%arg6 : memref<256x128xf32, #tpu.memory_space<vmem>>)
    "tpu.region"() ({
      %run_scoped3A = tpu.sem_alloc : memref<!tpu.dma_semaphore, #tpu.memory_space<semaphore_mem>>
      %dma_start3A_7 = arith.constant 0 : i32
      %dma_start3A_8 = tpu.memref_slice %arg4[%mul3A_2, %dma_start3A_7] : memref<8192x128xf32, #tpu.memory_space<hbm>> -> memref<256x128xf32, #tpu.memory_space<hbm>>
      %dma_start3A_9 = arith.constant 0 : i32
      %dma_start3A_10 = tpu.memref_slice %arg4[%mul3A_2, %dma_start3A_9] : memref<8192x128xf32, #tpu.memory_space<hbm>> -> memref<256x128xf32, #tpu.memory_space<hbm>>
      tpu.enqueue_dma source(%arg6 : memref<256x128xf32, #tpu.memory_space<vmem>>) target(%dma_start3A_10 : memref<256x128xf32, #tpu.memory_space<hbm>>) target_semaphore(%run_scoped3A : memref<!tpu.dma_semaphore, #tpu.memory_space<semaphore_mem>>)
      %dma_wait3A_11 = arith.constant 0 : i32
      %dma_wait3A_12 = tpu.memref_slice %arg4[%mul3A_2, %dma_wait3A_11] : memref<8192x128xf32, #tpu.memory_space<hbm>> -> memref<256x128xf32, #tpu.memory_space<hbm>>
      %dma_wait3A_13 = arith.constant 0 : i32
      %dma_wait3A_14 = tpu.memref_slice %arg4[%mul3A_2, %dma_wait3A_13] : memref<8192x128xf32, #tpu.memory_space<hbm>> -> memref<256x128xf32, #tpu.memory_space<hbm>>
      tpu.wait_dma2 semaphore(%run_scoped3A : memref<!tpu.dma_semaphore, #tpu.memory_space<semaphore_mem>>) src(%arg6 : memref<256x128xf32, #tpu.memory_space<vmem>>) dst(%dma_wait3A_14 : memref<256x128xf32, #tpu.memory_space<hbm>>)
      tpu.yield
    }) : () -> ()
    return
  }
}

#map = affine_map<(d0, d1) -> (0, 0)>
#map1 = affine_map<(d0, d1) -> (0)>
module attributes {stable_mosaic.version = 14 : i64} {
  func.func @k(%arg0: i32, %arg1: i32, %arg2: memref<8193x128xf32, #tpu.memory_space<hbm>>, %arg3: memref<8192xi32, #tpu.memory_space<hbm>>, %arg4: memref<8192x128xf32, #tpu.memory_space<hbm>>, %arg5: memref<256xi32, #tpu.memory_space<vmem>>, %arg6: memref<256x128xf32, #tpu.memory_space<vmem>>, %arg7: memref<!tpu.dma_semaphore, #tpu.memory_space<semaphore_mem>>) attributes {dimension_semantics = [#tpu.dimension_semantics<core_parallel>, #tpu.dimension_semantics<subcore_parallel>], iteration_bounds = array<i64: 2, 16>, scalar_prefetch = 0 : i64, scratch_operands = 3 : i64, tpu.core_type = #tpu.core_type<sc_vector_subcore>, window_params = [{transform_indices = #map}, {transform_indices = #map1}, {transform_indices = #map}]} {
    %mul3A = arith.constant 2 : i32
    %mul3A_0 = arith.muli %arg1, %mul3A : i32
    %add3A = arith.addi %mul3A_0, %arg0 : i32
    %mul3A_1 = arith.constant 256 : i32
    %mul3A_2 = arith.muli %add3A, %mul3A_1 : i32
    "tpu.region"() ({
      %run_scoped3A = tpu.sem_alloc : memref<!tpu.dma_semaphore, #tpu.memory_space<semaphore_mem>>
      %dma_start3A_7 = tpu.memref_slice %arg3[%mul3A_2] : memref<8192xi32, #tpu.memory_space<hbm>> -> memref<256xi32, #tpu.memory_space<hbm>>
      %dma_start3A_8 = tpu.memref_slice %arg3[%mul3A_2] : memref<8192xi32, #tpu.memory_space<hbm>> -> memref<256xi32, #tpu.memory_space<hbm>>
      tpu.enqueue_dma source(%dma_start3A_8 : memref<256xi32, #tpu.memory_space<hbm>>) target(%arg5 : memref<256xi32, #tpu.memory_space<vmem>>) target_semaphore(%run_scoped3A : memref<!tpu.dma_semaphore, #tpu.memory_space<semaphore_mem>>)
      %dma_wait3A_9 = tpu.memref_slice %arg3[%mul3A_2] : memref<8192xi32, #tpu.memory_space<hbm>> -> memref<256xi32, #tpu.memory_space<hbm>>
      %dma_wait3A_10 = tpu.memref_slice %arg3[%mul3A_2] : memref<8192xi32, #tpu.memory_space<hbm>> -> memref<256xi32, #tpu.memory_space<hbm>>
      tpu.wait_dma2 semaphore(%run_scoped3A : memref<!tpu.dma_semaphore, #tpu.memory_space<semaphore_mem>>) src(%dma_wait3A_10 : memref<256xi32, #tpu.memory_space<hbm>>) dst(%arg5 : memref<256xi32, #tpu.memory_space<vmem>>)
      tpu.yield
    }) : () -> ()
    %dma_start3A = arith.constant 0 : i32
    %dma_start3A_3 = arith.constant 0 : i32
    %dma_start3A_4 = tpu.memref_slice %arg2[%dma_start3A, %dma_start3A_3] : memref<8193x128xf32, #tpu.memory_space<hbm>> -> memref<8193x128xf32, #tpu.memory_space<hbm>>
    tpu.enqueue_indirect_dma source(%dma_start3A_4 : memref<8193x128xf32, #tpu.memory_space<hbm>>) target(%arg6 : memref<256x128xf32, #tpu.memory_space<vmem>>) offsets(%arg5 : memref<256xi32, #tpu.memory_space<vmem>>) semaphore(%arg7 : memref<!tpu.dma_semaphore, #tpu.memory_space<semaphore_mem>>)
    %dma_wait3A = arith.constant 0 : i32
    %dma_wait3A_5 = arith.constant 0 : i32
    %dma_wait3A_6 = tpu.memref_slice %arg2[%dma_wait3A, %dma_wait3A_5] : memref<8193x128xf32, #tpu.memory_space<hbm>> -> memref<8193x128xf32, #tpu.memory_space<hbm>>
    tpu.wait_indirect_dma semaphore(%arg7 : memref<!tpu.dma_semaphore, #tpu.memory_space<semaphore_mem>>) src(%dma_wait3A_6 : memref<8193x128xf32, #tpu.memory_space<hbm>>) dst(%arg6 : memref<256x128xf32, #tpu.memory_space<vmem>>)
    "tpu.region"() ({
      %run_scoped3A = tpu.sem_alloc : memref<!tpu.dma_semaphore, #tpu.memory_space<semaphore_mem>>
      %dma_start3A_7 = arith.constant 0 : i32
      %dma_start3A_8 = tpu.memref_slice %arg4[%mul3A_2, %dma_start3A_7] : memref<8192x128xf32, #tpu.memory_space<hbm>> -> memref<256x128xf32, #tpu.memory_space<hbm>>
      %dma_start3A_9 = arith.constant 0 : i32
      %dma_start3A_10 = tpu.memref_slice %arg4[%mul3A_2, %dma_start3A_9] : memref<8192x128xf32, #tpu.memory_space<hbm>> -> memref<256x128xf32, #tpu.memory_space<hbm>>
      tpu.enqueue_dma source(%arg6 : memref<256x128xf32, #tpu.memory_space<vmem>>) target(%dma_start3A_10 : memref<256x128xf32, #tpu.memory_space<hbm>>) target_semaphore(%run_scoped3A : memref<!tpu.dma_semaphore, #tpu.memory_space<semaphore_mem>>)
      %dma_wait3A_11 = arith.constant 0 : i32
      %dma_wait3A_12 = tpu.memref_slice %arg4[%mul3A_2, %dma_wait3A_11] : memref<8192x128xf32, #tpu.memory_space<hbm>> -> memref<256x128xf32, #tpu.memory_space<hbm>>
      %dma_wait3A_13 = arith.constant 0 : i32
      %dma_wait3A_14 = tpu.memref_slice %arg4[%mul3A_2, %dma_wait3A_13] : memref<8192x128xf32, #tpu.memory_space<hbm>> -> memref<256x128xf32, #tpu.memory_space<hbm>>
      tpu.wait_dma2 semaphore(%run_scoped3A : memref<!tpu.dma_semaphore, #tpu.memory_space<semaphore_mem>>) src(%arg6 : memref<256x128xf32, #tpu.memory_space<vmem>>) dst(%dma_wait3A_14 : memref<256x128xf32, #tpu.memory_space<hbm>>)
      tpu.yield
    }) : () -> ()
    return
  }
}

#map = affine_map<(d0, d1) -> (0, 0)>
#map1 = affine_map<(d0, d1) -> (0)>
module attributes {stable_mosaic.version = 14 : i64} {
  func.func @k(%arg0: i32, %arg1: i32, %arg2: memref<8193x128xf32, #tpu.memory_space<hbm>>, %arg3: memref<8192xi32, #tpu.memory_space<hbm>>, %arg4: memref<8192x128xf32, #tpu.memory_space<hbm>>, %arg5: memref<256xi32, #tpu.memory_space<vmem>>, %arg6: memref<256x128xf32, #tpu.memory_space<vmem>>, %arg7: memref<!tpu.dma_semaphore, #tpu.memory_space<semaphore_mem>>) attributes {dimension_semantics = [#tpu.dimension_semantics<core_parallel>, #tpu.dimension_semantics<subcore_parallel>], iteration_bounds = array<i64: 2, 16>, scalar_prefetch = 0 : i64, scratch_operands = 3 : i64, tpu.core_type = #tpu.core_type<sc_vector_subcore>, window_params = [{transform_indices = #map}, {transform_indices = #map1}, {transform_indices = #map}]} {
    %mul3A = arith.constant 2 : i32
    %mul3A_0 = arith.muli %arg1, %mul3A : i32
    %add3A = arith.addi %mul3A_0, %arg0 : i32
    %mul3A_1 = arith.constant 256 : i32
    %mul3A_2 = arith.muli %add3A, %mul3A_1 : i32
    "tpu.region"() ({
      %run_scoped3A = tpu.sem_alloc : memref<!tpu.dma_semaphore, #tpu.memory_space<semaphore_mem>>
      %dma_start3A_7 = tpu.memref_slice %arg3[%mul3A_2] : memref<8192xi32, #tpu.memory_space<hbm>> -> memref<256xi32, #tpu.memory_space<hbm>>
      %dma_start3A_8 = tpu.memref_slice %arg3[%mul3A_2] : memref<8192xi32, #tpu.memory_space<hbm>> -> memref<256xi32, #tpu.memory_space<hbm>>
      tpu.enqueue_dma source(%dma_start3A_8 : memref<256xi32, #tpu.memory_space<hbm>>) target(%arg5 : memref<256xi32, #tpu.memory_space<vmem>>) target_semaphore(%run_scoped3A : memref<!tpu.dma_semaphore, #tpu.memory_space<semaphore_mem>>)
      %dma_wait3A_9 = tpu.memref_slice %arg3[%mul3A_2] : memref<8192xi32, #tpu.memory_space<hbm>> -> memref<256xi32, #tpu.memory_space<hbm>>
      %dma_wait3A_10 = tpu.memref_slice %arg3[%mul3A_2] : memref<8192xi32, #tpu.memory_space<hbm>> -> memref<256xi32, #tpu.memory_space<hbm>>
      tpu.wait_dma2 semaphore(%run_scoped3A : memref<!tpu.dma_semaphore, #tpu.memory_space<semaphore_mem>>) src(%dma_wait3A_10 : memref<256xi32, #tpu.memory_space<hbm>>) dst(%arg5 : memref<256xi32, #tpu.memory_space<vmem>>)
      tpu.yield
    }) : () -> ()
    %dma_start3A = arith.constant 0 : i32
    %dma_start3A_3 = arith.constant 0 : i32
    %dma_start3A_4 = tpu.memref_slice %arg2[%dma_start3A, %dma_start3A_3] : memref<8193x128xf32, #tpu.memory_space<hbm>> -> memref<8193x128xf32, #tpu.memory_space<hbm>>
    tpu.enqueue_indirect_dma source(%dma_start3A_4 : memref<8193x128xf32, #tpu.memory_space<hbm>>) target(%arg6 : memref<256x128xf32, #tpu.memory_space<vmem>>) offsets(%arg5 : memref<256xi32, #tpu.memory_space<vmem>>) semaphore(%arg7 : memref<!tpu.dma_semaphore, #tpu.memory_space<semaphore_mem>>)
    %dma_wait3A = arith.constant 0 : i32
    %dma_wait3A_5 = arith.constant 0 : i32
    %dma_wait3A_6 = tpu.memref_slice %arg2[%dma_wait3A, %dma_wait3A_5] : memref<8193x128xf32, #tpu.memory_space<hbm>> -> memref<8193x128xf32, #tpu.memory_space<hbm>>
    tpu.wait_indirect_dma semaphore(%arg7 : memref<!tpu.dma_semaphore, #tpu.memory_space<semaphore_mem>>) src(%dma_wait3A_6 : memref<8193x128xf32, #tpu.memory_space<hbm>>) dst(%arg6 : memref<256x128xf32, #tpu.memory_space<vmem>>)
    "tpu.region"() ({
      %run_scoped3A = tpu.sem_alloc : memref<!tpu.dma_semaphore, #tpu.memory_space<semaphore_mem>>
      %dma_start3A_7 = arith.constant 0 : i32
      %dma_start3A_8 = tpu.memref_slice %arg4[%mul3A_2, %dma_start3A_7] : memref<8192x128xf32, #tpu.memory_space<hbm>> -> memref<256x128xf32, #tpu.memory_space<hbm>>
      %dma_start3A_9 = arith.constant 0 : i32
      %dma_start3A_10 = tpu.memref_slice %arg4[%mul3A_2, %dma_start3A_9] : memref<8192x128xf32, #tpu.memory_space<hbm>> -> memref<256x128xf32, #tpu.memory_space<hbm>>
      tpu.enqueue_dma source(%arg6 : memref<256x128xf32, #tpu.memory_space<vmem>>) target(%dma_start3A_10 : memref<256x128xf32, #tpu.memory_space<hbm>>) target_semaphore(%run_scoped3A : memref<!tpu.dma_semaphore, #tpu.memory_space<semaphore_mem>>)
      %dma_wait3A_11 = arith.constant 0 : i32
      %dma_wait3A_12 = tpu.memref_slice %arg4[%mul3A_2, %dma_wait3A_11] : memref<8192x128xf32, #tpu.memory_space<hbm>> -> memref<256x128xf32, #tpu.memory_space<hbm>>
      %dma_wait3A_13 = arith.constant 0 : i32
      %dma_wait3A_14 = tpu.memref_slice %arg4[%mul3A_2, %dma_wait3A_13] : memref<8192x128xf32, #tpu.memory_space<hbm>> -> memref<256x128xf32, #tpu.memory_space<hbm>>
      tpu.wait_dma2 semaphore(%run_scoped3A : memref<!tpu.dma_semaphore, #tpu.memory_space<semaphore_mem>>) src(%arg6 : memref<256x128xf32, #tpu.memory_space<vmem>>) dst(%dma_wait3A_14 : memref<256x128xf32, #tpu.memory_space<hbm>>)
      tpu.yield
    }) : () -> ()
    return
  }
}

#map = affine_map<(d0, d1) -> (0, 0)>
#map1 = affine_map<(d0, d1) -> (0)>
module attributes {stable_mosaic.version = 14 : i64} {
  func.func @k(%arg0: i32, %arg1: i32, %arg2: memref<8193x128xf32, #tpu.memory_space<hbm>>, %arg3: memref<8192xi32, #tpu.memory_space<hbm>>, %arg4: memref<8192x128xf32, #tpu.memory_space<hbm>>, %arg5: memref<256xi32, #tpu.memory_space<vmem>>, %arg6: memref<256x128xf32, #tpu.memory_space<vmem>>, %arg7: memref<!tpu.dma_semaphore, #tpu.memory_space<semaphore_mem>>) attributes {dimension_semantics = [#tpu.dimension_semantics<core_parallel>, #tpu.dimension_semantics<subcore_parallel>], iteration_bounds = array<i64: 2, 16>, scalar_prefetch = 0 : i64, scratch_operands = 3 : i64, tpu.core_type = #tpu.core_type<sc_vector_subcore>, window_params = [{transform_indices = #map}, {transform_indices = #map1}, {transform_indices = #map}]} {
    %mul3A = arith.constant 2 : i32
    %mul3A_0 = arith.muli %arg1, %mul3A : i32
    %add3A = arith.addi %mul3A_0, %arg0 : i32
    %mul3A_1 = arith.constant 256 : i32
    %mul3A_2 = arith.muli %add3A, %mul3A_1 : i32
    "tpu.region"() ({
      %run_scoped3A = tpu.sem_alloc : memref<!tpu.dma_semaphore, #tpu.memory_space<semaphore_mem>>
      %dma_start3A_7 = tpu.memref_slice %arg3[%mul3A_2] : memref<8192xi32, #tpu.memory_space<hbm>> -> memref<256xi32, #tpu.memory_space<hbm>>
      %dma_start3A_8 = tpu.memref_slice %arg3[%mul3A_2] : memref<8192xi32, #tpu.memory_space<hbm>> -> memref<256xi32, #tpu.memory_space<hbm>>
      tpu.enqueue_dma source(%dma_start3A_8 : memref<256xi32, #tpu.memory_space<hbm>>) target(%arg5 : memref<256xi32, #tpu.memory_space<vmem>>) target_semaphore(%run_scoped3A : memref<!tpu.dma_semaphore, #tpu.memory_space<semaphore_mem>>)
      %dma_wait3A_9 = tpu.memref_slice %arg3[%mul3A_2] : memref<8192xi32, #tpu.memory_space<hbm>> -> memref<256xi32, #tpu.memory_space<hbm>>
      %dma_wait3A_10 = tpu.memref_slice %arg3[%mul3A_2] : memref<8192xi32, #tpu.memory_space<hbm>> -> memref<256xi32, #tpu.memory_space<hbm>>
      tpu.wait_dma2 semaphore(%run_scoped3A : memref<!tpu.dma_semaphore, #tpu.memory_space<semaphore_mem>>) src(%dma_wait3A_10 : memref<256xi32, #tpu.memory_space<hbm>>) dst(%arg5 : memref<256xi32, #tpu.memory_space<vmem>>)
      tpu.yield
    }) : () -> ()
    %dma_start3A = arith.constant 0 : i32
    %dma_start3A_3 = arith.constant 0 : i32
    %dma_start3A_4 = tpu.memref_slice %arg2[%dma_start3A, %dma_start3A_3] : memref<8193x128xf32, #tpu.memory_space<hbm>> -> memref<8193x128xf32, #tpu.memory_space<hbm>>
    tpu.enqueue_indirect_dma source(%dma_start3A_4 : memref<8193x128xf32, #tpu.memory_space<hbm>>) target(%arg6 : memref<256x128xf32, #tpu.memory_space<vmem>>) offsets(%arg5 : memref<256xi32, #tpu.memory_space<vmem>>) semaphore(%arg7 : memref<!tpu.dma_semaphore, #tpu.memory_space<semaphore_mem>>)
    %dma_wait3A = arith.constant 0 : i32
    %dma_wait3A_5 = arith.constant 0 : i32
    %dma_wait3A_6 = tpu.memref_slice %arg2[%dma_wait3A, %dma_wait3A_5] : memref<8193x128xf32, #tpu.memory_space<hbm>> -> memref<8193x128xf32, #tpu.memory_space<hbm>>
    tpu.wait_indirect_dma semaphore(%arg7 : memref<!tpu.dma_semaphore, #tpu.memory_space<semaphore_mem>>) src(%dma_wait3A_6 : memref<8193x128xf32, #tpu.memory_space<hbm>>) dst(%arg6 : memref<256x128xf32, #tpu.memory_space<vmem>>)
    "tpu.region"() ({
      %run_scoped3A = tpu.sem_alloc : memref<!tpu.dma_semaphore, #tpu.memory_space<semaphore_mem>>
      %dma_start3A_7 = arith.constant 0 : i32
      %dma_start3A_8 = tpu.memref_slice %arg4[%mul3A_2, %dma_start3A_7] : memref<8192x128xf32, #tpu.memory_space<hbm>> -> memref<256x128xf32, #tpu.memory_space<hbm>>
      %dma_start3A_9 = arith.constant 0 : i32
      %dma_start3A_10 = tpu.memref_slice %arg4[%mul3A_2, %dma_start3A_9] : memref<8192x128xf32, #tpu.memory_space<hbm>> -> memref<256x128xf32, #tpu.memory_space<hbm>>
      tpu.enqueue_dma source(%arg6 : memref<256x128xf32, #tpu.memory_space<vmem>>) target(%dma_start3A_10 : memref<256x128xf32, #tpu.memory_space<hbm>>) target_semaphore(%run_scoped3A : memref<!tpu.dma_semaphore, #tpu.memory_space<semaphore_mem>>)
      %dma_wait3A_11 = arith.constant 0 : i32
      %dma_wait3A_12 = tpu.memref_slice %arg4[%mul3A_2, %dma_wait3A_11] : memref<8192x128xf32, #tpu.memory_space<hbm>> -> memref<256x128xf32, #tpu.memory_space<hbm>>
      %dma_wait3A_13 = arith.constant 0 : i32
      %dma_wait3A_14 = tpu.memref_slice %arg4[%mul3A_2, %dma_wait3A_13] : memref<8192x128xf32, #tpu.memory_space<hbm>> -> memref<256x128xf32, #tpu.memory_space<hbm>>
      tpu.wait_dma2 semaphore(%run_scoped3A : memref<!tpu.dma_semaphore, #tpu.memory_space<semaphore_mem>>) src(%arg6 : memref<256x128xf32, #tpu.memory_space<vmem>>) dst(%dma_wait3A_14 : memref<256x128xf32, #tpu.memory_space<hbm>>)
      tpu.yield
    }) : () -> ()
    return
  }
}

module attributes {stable_mosaic.version = 14 : i64} {
  func.func @_norms_body(%arg0: memref<8192x64xf32, #tpu.memory_space<vmem>>, %arg1: memref<8192x64xf32, #tpu.memory_space<vmem>>, %arg2: memref<8192x64xf32, #tpu.memory_space<vmem>>, %arg3: memref<8192x64xf32, #tpu.memory_space<vmem>>, %arg4: memref<4x8192xf32, #tpu.memory_space<vmem>>) attributes {dimension_semantics = [], scalar_prefetch = 0 : i64, scratch_operands = 0 : i64, tpu.core_type = #tpu.core_type<tc>} {
    %broadcast_in_dim3A = arith.constant 1.000000e+00 : f32
    %broadcast_in_dim3A_0 = vector.broadcast %broadcast_in_dim3A : f32 to vector<1x64xf32>
    %get3A = arith.constant 0 : index
    %get3A_1 = arith.constant 0 : index
    %get3A_2 = vector.load %arg0[%get3A, %get3A_1] : memref<8192x64xf32, #tpu.memory_space<vmem>>, vector<8192x64xf32>
    %mul3A = arith.mulf %get3A_2, %get3A_2 : vector<8192x64xf32>
    %dot_general3A = arith.constant dense<0.000000e+00> : vector<1x8192xf32>
    %dot_general3A_3 = tpu.matmul %broadcast_in_dim3A_0, %mul3A, %dot_general3A {dimension_numbers = #tpu.dot_dimension_numbers<[1], [1], [0], [0], [0, 0, 1, 0], [], []>, precision = #tpu.contract_precision<fp32>, transpose_lhs_hint = false} : vector<1x64xf32>, vector<8192x64xf32>, vector<1x8192xf32> -> vector<1x8192xf32>
    %swap3A = arith.constant 0 : index
    %swap3A_4 = arith.constant 0 : index
    %swap3A_5 = vector.load %arg4[%swap3A, %swap3A_4] : memref<4x8192xf32, #tpu.memory_space<vmem>>, vector<1x8192xf32>
    tpu.vector_store %arg4[%swap3A, %swap3A_4], %dot_general3A_3 {strides = array<i32>} : memref<4x8192xf32, #tpu.memory_space<vmem>>, vector<1x8192xf32>,
    %get3A_6 = arith.constant 0 : index
    %get3A_7 = arith.constant 0 : index
    %get3A_8 = vector.load %arg1[%get3A_6, %get3A_7] : memref<8192x64xf32, #tpu.memory_space<vmem>>, vector<8192x64xf32>
    %mul3A_9 = arith.mulf %get3A_8, %get3A_8 : vector<8192x64xf32>
    %dot_general3A_10 = arith.constant dense<0.000000e+00> : vector<1x8192xf32>
    %dot_general3A_11 = tpu.matmul %broadcast_in_dim3A_0, %mul3A_9, %dot_general3A_10 {dimension_numbers = #tpu.dot_dimension_numbers<[1], [1], [0], [0], [0, 0, 1, 0], [], []>, precision = #tpu.contract_precision<fp32>, transpose_lhs_hint = false} : vector<1x64xf32>, vector<8192x64xf32>, vector<1x8192xf32> -> vector<1x8192xf32>
    %swap3A_12 = arith.constant 1 : index
    %swap3A_13 = arith.constant 0 : index
    %swap3A_14 = vector.load %arg4[%swap3A_12, %swap3A_13] : memref<4x8192xf32, #tpu.memory_space<vmem>>, vector<1x8192xf32>
    tpu.vector_store %arg4[%swap3A_12, %swap3A_13], %dot_general3A_11 {strides = array<i32>} : memref<4x8192xf32, #tpu.memory_space<vmem>>, vector<1x8192xf32>,
    %get3A_15 = arith.constant 0 : index
    %get3A_16 = arith.constant 0 : index
    %get3A_17 = vector.load %arg2[%get3A_15, %get3A_16] : memref<8192x64xf32, #tpu.memory_space<vmem>>, vector<8192x64xf32>
    %mul3A_18 = arith.mulf %get3A_17, %get3A_17 : vector<8192x64xf32>
    %dot_general3A_19 = arith.constant dense<0.000000e+00> : vector<1x8192xf32>
    %dot_general3A_20 = tpu.matmul %broadcast_in_dim3A_0, %mul3A_18, %dot_general3A_19 {dimension_numbers = #tpu.dot_dimension_numbers<[1], [1], [0], [0], [0, 0, 1, 0], [], []>, precision = #tpu.contract_precision<fp32>, transpose_lhs_hint = false} : vector<1x64xf32>, vector<8192x64xf32>, vector<1x8192xf32> -> vector<1x8192xf32>
    %swap3A_21 = arith.constant 2 : index
    %swap3A_22 = arith.constant 0 : index
    %swap3A_23 = vector.load %arg4[%swap3A_21, %swap3A_22] : memref<4x8192xf32, #tpu.memory_space<vmem>>, vector<1x8192xf32>
    tpu.vector_store %arg4[%swap3A_21, %swap3A_22], %dot_general3A_20 {strides = array<i32>} : memref<4x8192xf32, #tpu.memory_space<vmem>>, vector<1x8192xf32>,
    %get3A_24 = arith.constant 0 : index
    %get3A_25 = arith.constant 0 : index
    %get3A_26 = vector.load %arg3[%get3A_24, %get3A_25] : memref<8192x64xf32, #tpu.memory_space<vmem>>, vector<8192x64xf32>
    %mul3A_27 = arith.mulf %get3A_26, %get3A_26 : vector<8192x64xf32>
    %dot_general3A_28 = arith.constant dense<0.000000e+00> : vector<1x8192xf32>
    %dot_general3A_29 = tpu.matmul %broadcast_in_dim3A_0, %mul3A_27, %dot_general3A_28 {dimension_numbers = #tpu.dot_dimension_numbers<[1], [1], [0], [0], [0, 0, 1, 0], [], []>, precision = #tpu.contract_precision<fp32>, transpose_lhs_hint = false} : vector<1x64xf32>, vector<8192x64xf32>, vector<1x8192xf32> -> vector<1x8192xf32>
    %swap3A_30 = arith.constant 3 : index
    %swap3A_31 = arith.constant 0 : index
    %swap3A_32 = vector.load %arg4[%swap3A_30, %swap3A_31] : memref<4x8192xf32, #tpu.memory_space<vmem>>, vector<1x8192xf32>
    tpu.vector_store %arg4[%swap3A_30, %swap3A_31], %dot_general3A_29 {strides = array<i32>} : memref<4x8192xf32, #tpu.memory_space<vmem>>, vector<1x8192xf32>,
    return
  }
}

module attributes {stable_mosaic.version = 14 : i64} {
  func.func @_depth0_body(%arg0: i32, %arg1: memref<1024x64xf32, #tpu.memory_space<vmem>>, %arg2: memref<8192x64xbf16, #tpu.memory_space<vmem>>, %arg3: memref<1x8192xf32, #tpu.memory_space<vmem>>, %arg4: memref<1024x1xi32, #tpu.memory_space<vmem>>) attributes {dimension_semantics = [#tpu.dimension_semantics<parallel>], iteration_bounds = array<i64: 8>, scalar_prefetch = 0 : i64, scratch_operands = 0 : i64, tpu.core_type = #tpu.core_type<tc>, window_params = [{transform_indices = @transform_0, window_bounds = array<i64: 1024, 64>}, {pipeline_mode = #tpu.pipeline_mode<synchronous>, transform_indices = @transform_1, window_bounds = array<i64: 8192, 64>}, {pipeline_mode = #tpu.pipeline_mode<synchronous>, transform_indices = @transform_2, window_bounds = array<i64: 1, 8192>}, {transform_indices = @transform_3, window_bounds = array<i64: 1024, 1>}]} {
    %get3A = arith.constant 0 : index
    %get3A_0 = arith.constant 0 : index
    %get3A_1 = vector.load %arg1[%get3A, %get3A_0] : memref<1024x64xf32, #tpu.memory_space<vmem>>, vector<1024x64xf32>
    %convert_element_type3A = arith.truncf %get3A_1 : vector<1024x64xf32> to vector<1024x64xbf16>
    %get3A_2 = arith.constant 0 : index
    %get3A_3 = arith.constant 0 : index
    %get3A_4 = vector.load %arg2[%get3A_2, %get3A_3] : memref<8192x64xbf16, #tpu.memory_space<vmem>>, vector<8192x64xbf16>
    %dot_general3A = arith.constant dense<0.000000e+00> : vector<1024x8192xf32>
    %dot_general3A_5 = tpu.matmul %convert_element_type3A, %get3A_4, %dot_general3A {dimension_numbers = #tpu.dot_dimension_numbers<[1], [1], [0], [0], [0, 0, 1, 0], [], []>, transpose_lhs_hint = false} : vector<1024x64xbf16>, vector<8192x64xbf16>, vector<1024x8192xf32> -> vector<1024x8192xf32>
    %mul3A = arith.mulf %get3A_1, %get3A_1 : vector<1024x64xf32>
    %reduce_sum3A = arith.constant dense<0.000000e+00> : vector<1024xf32>
    %reduce_sum3A_6 = vector.multi_reduction <add>, %mul3A, %reduce_sum3A [1] : vector<1024x64xf32> to vector<1024xf32>
    %broadcast_in_dim3A = vector.shape_cast %reduce_sum3A_6 : vector<1024xf32> to vector<1024x1xf32>
    %get3A_7 = arith.constant 0 : index
    %get3A_8 = arith.constant 0 : index
    %get3A_9 = vector.load %arg3[%get3A_7, %get3A_8] : memref<1x8192xf32, #tpu.memory_space<vmem>>, vector<1x8192xf32>
    %add3A = vector.broadcast %broadcast_in_dim3A : vector<1024x1xf32> to vector<1024x8192xf32>
    %add3A_10 = vector.broadcast %get3A_9 : vector<1x8192xf32> to vector<1024x8192xf32>
    %add3A_11 = arith.addf %add3A, %add3A_10 : vector<1024x8192xf32>
    %mul3A_12 = arith.constant 2.000000e+00 : f32
    %mul3A_13 = vector.broadcast %mul3A_12 : f32 to vector<1024x8192xf32>
    %mul3A_14 = arith.mulf %mul3A_13, %dot_general3A_5 : vector<1024x8192xf32>
    %sub3A = arith.subf %add3A_11, %mul3A_14 : vector<1024x8192xf32>
    %iota3A = tpu.iota {dimensions = array<i32: 1>} : vector<1024x4096xi32>
    %slice3A = vector.extract_strided_slice %sub3A {offsets = [0, 0], sizes = [1024, 4096], strides = [1, 1]} : vector<1024x8192xf32> to vector<1024x4096xf32>
    %reduce_min3A = arith.constant dense<0x7F800000> : vector<1024xf32>
    %reduce_min3A_15 = vector.multi_reduction <minimumf>, %slice3A, %reduce_min3A [1] : vector<1024x4096xf32> to vector<1024xf32>
    %broadcast_in_dim3A_16 = vector.shape_cast %reduce_min3A_15 : vector<1024xf32> to vector<1024x1xf32>
    %eq3A = vector.broadcast %broadcast_in_dim3A_16 : vector<1024x1xf32> to vector<1024x4096xf32>
    %eq3A_17 = arith.cmpf oeq, %slice3A, %eq3A : vector<1024x4096xf32>
    %jit3A = arith.constant 8192 : i32
    %broadcast_in_dim3A_18 = vector.broadcast %jit3A : i32 to vector<1024x4096xi32>
    %select_n3A = arith.select %eq3A_17, %iota3A, %broadcast_in_dim3A_18 : vector<1024x4096xi1>, vector<1024x4096xi32>
    %reduce_min3A_19 = arith.constant dense<2147483647> : vector<1024xi32>
    %reduce_min3A_20 = vector.multi_reduction <minsi>, %select_n3A, %reduce_min3A_19 [1] : vector<1024x4096xi32> to vector<1024xi32>
    %broadcast_in_dim3A_21 = vector.shape_cast %reduce_min3A_20 : vector<1024xi32> to vector<1024x1xi32>
    %slice3A_22 = vector.extract_strided_slice %sub3A {offsets = [0, 4096], sizes = [1024, 4096], strides = [1, 1]} : vector<1024x8192xf32> to vector<1024x4096xf32>
    %reduce_min3A_23 = arith.constant dense<0x7F800000> : vector<1024xf32>
    %reduce_min3A_24 = vector.multi_reduction <minimumf>, %slice3A_22, %reduce_min3A_23 [1] : vector<1024x4096xf32> to vector<1024xf32>
    %broadcast_in_dim3A_25 = vector.shape_cast %reduce_min3A_24 : vector<1024xf32> to vector<1024x1xf32>
    %eq3A_26 = vector.broadcast %broadcast_in_dim3A_25 : vector<1024x1xf32> to vector<1024x4096xf32>
    %eq3A_27 = arith.cmpf oeq, %slice3A_22, %eq3A_26 : vector<1024x4096xf32>
    %jit3A_28 = arith.constant 8192 : i32
    %broadcast_in_dim3A_29 = vector.broadcast %jit3A_28 : i32 to vector<1024x4096xi32>
    %select_n3A_30 = arith.select %eq3A_27, %iota3A, %broadcast_in_dim3A_29 : vector<1024x4096xi1>, vector<1024x4096xi32>
    %reduce_min3A_31 = arith.constant dense<2147483647> : vector<1024xi32>
    %reduce_min3A_32 = vector.multi_reduction <minsi>, %select_n3A_30, %reduce_min3A_31 [1] : vector<1024x4096xi32> to vector<1024xi32>
    %broadcast_in_dim3A_33 = vector.shape_cast %reduce_min3A_32 : vector<1024xi32> to vector<1024x1xi32>
    %add3A_34 = arith.constant 4096 : i32
    %add3A_35 = vector.broadcast %add3A_34 : i32 to vector<1024x1xi32>
    %add3A_36 = arith.addi %broadcast_in_dim3A_33, %add3A_35 : vector<1024x1xi32>
    %convert_element_type3A_37 = arith.truncf %broadcast_in_dim3A_16 : vector<1024x1xf32> to vector<1024x1xbf16>
    %convert_element_type3A_38 = arith.extf %convert_element_type3A_37 : vector<1024x1xbf16> to vector<1024x1xf32>
    %lt3A = arith.cmpf olt, %broadcast_in_dim3A_25, %convert_element_type3A_38 : vector<1024x1xf32>
    %select_n3A_39 = arith.select %lt3A, %add3A_36, %broadcast_in_dim3A_21 : vector<1024x1xi1>, vector<1024x1xi32>
    %swap3A = arith.constant 0 : index
    %swap3A_40 = arith.constant 0 : index
    %swap3A_41 = vector.load %arg4[%swap3A, %swap3A_40] : memref<1024x1xi32, #tpu.memory_space<vmem>>, vector<1024x1xi32>
    tpu.vector_store %arg4[%swap3A, %swap3A_40], %select_n3A_39 {strides = array<i32>} : memref<1024x1xi32, #tpu.memory_space<vmem>>, vector<1024x1xi32>,
    return
  }
  func.func @transform_0(%arg0: i32) -> (i32, i32) {
    %c0_i32 = arith.constant 0 : i32
    %c0_i32_0 = arith.constant 0 : i32
    return %arg0, %c0_i32 : i32, i32
  }
  func.func @transform_1(%arg0: i32) -> (i32, i32) {
    %c0_i32 = arith.constant 0 : i32
    %c0_i32_0 = arith.constant 0 : i32
    %c0_i32_1 = arith.constant 0 : i32
    return %c0_i32, %c0_i32_0 : i32, i32
  }
  func.func @transform_2(%arg0: i32) -> (i32, i32) {
    %c0_i32 = arith.constant 0 : i32
    %c0_i32_0 = arith.constant 0 : i32
    %c0_i32_1 = arith.constant 0 : i32
    return %c0_i32, %c0_i32_0 : i32, i32
  }
  func.func @transform_3(%arg0: i32) -> (i32, i32) {
    %c0_i32 = arith.constant 0 : i32
    %c0_i32_0 = arith.constant 0 : i32
    return %arg0, %c0_i32 : i32, i32
  }
}

module attributes {stable_mosaic.version = 14 : i64} {
  func.func @_depth_body(%arg0: i32, %arg1: memref<1024x64xf32, #tpu.memory_space<vmem>>, %arg2: memref<1024x128xf32, #tpu.memory_space<vmem>>, %arg3: memref<8192x64xbf16, #tpu.memory_space<vmem>>, %arg4: memref<1x8192xf32, #tpu.memory_space<vmem>>, %arg5: memref<1024x1xi32, #tpu.memory_space<vmem>>, %arg6: memref<1024x64xf32, #tpu.memory_space<vmem>>, %arg7: memref<1x1x1xf32, #tpu.memory_space<vmem>>) attributes {dimension_semantics = [#tpu.dimension_semantics<parallel>], iteration_bounds = array<i64: 8>, scalar_prefetch = 0 : i64, scratch_operands = 0 : i64, tpu.core_type = #tpu.core_type<tc>, window_params = [{transform_indices = @transform_0, window_bounds = array<i64: 1024, 64>}, {transform_indices = @transform_1, window_bounds = array<i64: 1024, 128>}, {pipeline_mode = #tpu.pipeline_mode<synchronous>, transform_indices = @transform_2, window_bounds = array<i64: 8192, 64>}, {pipeline_mode = #tpu.pipeline_mode<synchronous>, transform_indices = @transform_3, window_bounds = array<i64: 1, 8192>}, {transform_indices = @transform_4, window_bounds = array<i64: 1024, 1>}, {transform_indices = @transform_5, window_bounds = array<i64: 1024, 64>}, {transform_indices = @transform_6, window_bounds = array<i64: 1, 1, 1>}]} {
    %get3A = arith.constant 0 : index
    %get3A_0 = arith.constant 0 : index
    %get3A_1 = vector.load %arg1[%get3A, %get3A_0] : memref<1024x64xf32, #tpu.memory_space<vmem>>, vector<1024x64xf32>
    %get3A_2 = arith.constant 0 : index
    %get3A_3 = arith.constant 0 : index
    %get3A_4 = vector.load %arg2[%get3A_2, %get3A_3] : memref<1024x128xf32, #tpu.memory_space<vmem>>, vector<1024x64xf32>
    %sub3A = arith.subf %get3A_1, %get3A_4 : vector<1024x64xf32>
    %swap3A = arith.constant 0 : index
    %swap3A_5 = arith.constant 0 : index
    %swap3A_6 = vector.load %arg6[%swap3A, %swap3A_5] : memref<1024x64xf32, #tpu.memory_space<vmem>>, vector<1024x64xf32>
    tpu.vector_store %arg6[%swap3A, %swap3A_5], %sub3A {strides = array<i32>} : memref<1024x64xf32, #tpu.memory_space<vmem>>, vector<1024x64xf32>,
    %convert_element_type3A = arith.truncf %sub3A : vector<1024x64xf32> to vector<1024x64xbf16>
    %get3A_7 = arith.constant 0 : index
    %get3A_8 = arith.constant 0 : index
    %get3A_9 = vector.load %arg3[%get3A_7, %get3A_8] : memref<8192x64xbf16, #tpu.memory_space<vmem>>, vector<8192x64xbf16>
    %dot_general3A = arith.constant dense<0.000000e+00> : vector<1024x8192xf32>
    %dot_general3A_10 = tpu.matmul %convert_element_type3A, %get3A_9, %dot_general3A {dimension_numbers = #tpu.dot_dimension_numbers<[1], [1], [0], [0], [0, 0, 1, 0], [], []>, transpose_lhs_hint = false} : vector<1024x64xbf16>, vector<8192x64xbf16>, vector<1024x8192xf32> -> vector<1024x8192xf32>
    %mul3A = arith.mulf %sub3A, %sub3A : vector<1024x64xf32>
    %reduce_sum3A = arith.constant dense<0.000000e+00> : vector<1024xf32>
    %reduce_sum3A_11 = vector.multi_reduction <add>, %mul3A, %reduce_sum3A [1] : vector<1024x64xf32> to vector<1024xf32>
    %broadcast_in_dim3A = vector.shape_cast %reduce_sum3A_11 : vector<1024xf32> to vector<1024x1xf32>
    %get3A_12 = arith.constant 0 : index
    %get3A_13 = arith.constant 0 : index
    %get3A_14 = vector.load %arg4[%get3A_12, %get3A_13] : memref<1x8192xf32, #tpu.memory_space<vmem>>, vector<1x8192xf32>
    %add3A = vector.broadcast %broadcast_in_dim3A : vector<1024x1xf32> to vector<1024x8192xf32>
    %add3A_15 = vector.broadcast %get3A_14 : vector<1x8192xf32> to vector<1024x8192xf32>
    %add3A_16 = arith.addf %add3A, %add3A_15 : vector<1024x8192xf32>
    %mul3A_17 = arith.constant 2.000000e+00 : f32
    %mul3A_18 = vector.broadcast %mul3A_17 : f32 to vector<1024x8192xf32>
    %mul3A_19 = arith.mulf %mul3A_18, %dot_general3A_10 : vector<1024x8192xf32>
    %sub3A_20 = arith.subf %add3A_16, %mul3A_19 : vector<1024x8192xf32>
    %argmin3A = tpu.reduce_index %sub3A_20 {axis = 1 : i32, kind = #tpu.reduction_kind<arg_min>} : vector<1024x8192xf32> -> vector<1024xi32>
    %broadcast_in_dim3A_21 = vector.shape_cast %argmin3A : vector<1024xi32> to vector<1024x1xi32>
    %swap3A_22 = arith.constant 0 : index
    %swap3A_23 = arith.constant 0 : index
    %swap3A_24 = vector.load %arg5[%swap3A_22, %swap3A_23] : memref<1024x1xi32, #tpu.memory_space<vmem>>, vector<1024x1xi32>
    tpu.vector_store %arg5[%swap3A_22, %swap3A_23], %broadcast_in_dim3A_21 {strides = array<i32>} : memref<1024x1xi32, #tpu.memory_space<vmem>>, vector<1024x1xi32>,
    %reduce_sum3A_25 = arith.constant dense<0.000000e+00> : vector<1xf32>
    %reduce_sum3A_26 = vector.multi_reduction <add>, %broadcast_in_dim3A, %reduce_sum3A_25 [0] : vector<1024x1xf32> to vector<1xf32>
    %broadcast_in_dim3A_27 = vector.shape_cast %reduce_sum3A_26 : vector<1xf32> to vector<1x1xf32>
    %swap3A_28 = arith.constant 0 : index
    %swap3A_29 = arith.constant 0 : index
    %swap3A_30 = arith.constant 0 : index
    %swap3A_31 = vector.load %arg7[%swap3A_28, %swap3A_29, %swap3A_30] : memref<1x1x1xf32, #tpu.memory_space<vmem>>, vector<1x1x1xf32>
    %swap3A_32 = vector.shape_cast %swap3A_31 : vector<1x1x1xf32> to vector<1x1xf32>
    %swap3A_33 = vector.shape_cast %broadcast_in_dim3A_27 : vector<1x1xf32> to vector<1x1x1xf32>
    tpu.vector_store %arg7[%swap3A_28, %swap3A_29, %swap3A_30], %swap3A_33 {strides = array<i32>} : memref<1x1x1xf32, #tpu.memory_space<vmem>>, vector<1x1x1xf32>,
    return
  }
  func.func @transform_0(%arg0: i32) -> (i32, i32) {
    %c0_i32 = arith.constant 0 : i32
    %c0_i32_0 = arith.constant 0 : i32
    return %arg0, %c0_i32 : i32, i32
  }
  func.func @transform_1(%arg0: i32) -> (i32, i32) {
    %c0_i32 = arith.constant 0 : i32
    %c0_i32_0 = arith.constant 0 : i32
    return %arg0, %c0_i32 : i32, i32
  }
  func.func @transform_2(%arg0: i32) -> (i32, i32) {
    %c0_i32 = arith.constant 0 : i32
    %c0_i32_0 = arith.constant 0 : i32
    %c0_i32_1 = arith.constant 0 : i32
    return %c0_i32, %c0_i32_0 : i32, i32
  }
  func.func @transform_3(%arg0: i32) -> (i32, i32) {
    %c0_i32 = arith.constant 0 : i32
    %c0_i32_0 = arith.constant 0 : i32
    %c0_i32_1 = arith.constant 0 : i32
    return %c0_i32, %c0_i32_0 : i32, i32
  }
  func.func @transform_4(%arg0: i32) -> (i32, i32) {
    %c0_i32 = arith.constant 0 : i32
    %c0_i32_0 = arith.constant 0 : i32
    return %arg0, %c0_i32 : i32, i32
  }
  func.func @transform_5(%arg0: i32) -> (i32, i32) {
    %c0_i32 = arith.constant 0 : i32
    %c0_i32_0 = arith.constant 0 : i32
    return %arg0, %c0_i32 : i32, i32
  }
  func.func @transform_6(%arg0: i32) -> (i32, i32, i32) {
    %c0_i32 = arith.constant 0 : i32
    %c0_i32_0 = arith.constant 0 : i32
    %c0_i32_1 = arith.constant 0 : i32
    return %arg0, %c0_i32, %c0_i32_0 : i32, i32, i32
  }
}

module attributes {stable_mosaic.version = 14 : i64} {
  func.func @_depth_body(%arg0: i32, %arg1: memref<1024x64xf32, #tpu.memory_space<vmem>>, %arg2: memref<1024x128xf32, #tpu.memory_space<vmem>>, %arg3: memref<8192x64xbf16, #tpu.memory_space<vmem>>, %arg4: memref<1x8192xf32, #tpu.memory_space<vmem>>, %arg5: memref<1024x1xi32, #tpu.memory_space<vmem>>, %arg6: memref<1024x64xf32, #tpu.memory_space<vmem>>, %arg7: memref<1x1x1xf32, #tpu.memory_space<vmem>>) attributes {dimension_semantics = [#tpu.dimension_semantics<parallel>], iteration_bounds = array<i64: 8>, scalar_prefetch = 0 : i64, scratch_operands = 0 : i64, tpu.core_type = #tpu.core_type<tc>, window_params = [{transform_indices = @transform_0, window_bounds = array<i64: 1024, 64>}, {transform_indices = @transform_1, window_bounds = array<i64: 1024, 128>}, {pipeline_mode = #tpu.pipeline_mode<synchronous>, transform_indices = @transform_2, window_bounds = array<i64: 8192, 64>}, {pipeline_mode = #tpu.pipeline_mode<synchronous>, transform_indices = @transform_3, window_bounds = array<i64: 1, 8192>}, {transform_indices = @transform_4, window_bounds = array<i64: 1024, 1>}, {transform_indices = @transform_5, window_bounds = array<i64: 1024, 64>}, {transform_indices = @transform_6, window_bounds = array<i64: 1, 1, 1>}]} {
    %get3A = arith.constant 0 : index
    %get3A_0 = arith.constant 0 : index
    %get3A_1 = vector.load %arg1[%get3A, %get3A_0] : memref<1024x64xf32, #tpu.memory_space<vmem>>, vector<1024x64xf32>
    %get3A_2 = arith.constant 0 : index
    %get3A_3 = arith.constant 0 : index
    %get3A_4 = vector.load %arg2[%get3A_2, %get3A_3] : memref<1024x128xf32, #tpu.memory_space<vmem>>, vector<1024x64xf32>
    %sub3A = arith.subf %get3A_1, %get3A_4 : vector<1024x64xf32>
    %swap3A = arith.constant 0 : index
    %swap3A_5 = arith.constant 0 : index
    %swap3A_6 = vector.load %arg6[%swap3A, %swap3A_5] : memref<1024x64xf32, #tpu.memory_space<vmem>>, vector<1024x64xf32>
    tpu.vector_store %arg6[%swap3A, %swap3A_5], %sub3A {strides = array<i32>} : memref<1024x64xf32, #tpu.memory_space<vmem>>, vector<1024x64xf32>,
    %convert_element_type3A = arith.truncf %sub3A : vector<1024x64xf32> to vector<1024x64xbf16>
    %get3A_7 = arith.constant 0 : index
    %get3A_8 = arith.constant 0 : index
    %get3A_9 = vector.load %arg3[%get3A_7, %get3A_8] : memref<8192x64xbf16, #tpu.memory_space<vmem>>, vector<8192x64xbf16>
    %dot_general3A = arith.constant dense<0.000000e+00> : vector<1024x8192xf32>
    %dot_general3A_10 = tpu.matmul %convert_element_type3A, %get3A_9, %dot_general3A {dimension_numbers = #tpu.dot_dimension_numbers<[1], [1], [0], [0], [0, 0, 1, 0], [], []>, transpose_lhs_hint = false} : vector<1024x64xbf16>, vector<8192x64xbf16>, vector<1024x8192xf32> -> vector<1024x8192xf32>
    %mul3A = arith.mulf %sub3A, %sub3A : vector<1024x64xf32>
    %reduce_sum3A = arith.constant dense<0.000000e+00> : vector<1024xf32>
    %reduce_sum3A_11 = vector.multi_reduction <add>, %mul3A, %reduce_sum3A [1] : vector<1024x64xf32> to vector<1024xf32>
    %broadcast_in_dim3A = vector.shape_cast %reduce_sum3A_11 : vector<1024xf32> to vector<1024x1xf32>
    %get3A_12 = arith.constant 0 : index
    %get3A_13 = arith.constant 0 : index
    %get3A_14 = vector.load %arg4[%get3A_12, %get3A_13] : memref<1x8192xf32, #tpu.memory_space<vmem>>, vector<1x8192xf32>
    %add3A = vector.broadcast %broadcast_in_dim3A : vector<1024x1xf32> to vector<1024x8192xf32>
    %add3A_15 = vector.broadcast %get3A_14 : vector<1x8192xf32> to vector<1024x8192xf32>
    %add3A_16 = arith.addf %add3A, %add3A_15 : vector<1024x8192xf32>
    %mul3A_17 = arith.constant 2.000000e+00 : f32
    %mul3A_18 = vector.broadcast %mul3A_17 : f32 to vector<1024x8192xf32>
    %mul3A_19 = arith.mulf %mul3A_18, %dot_general3A_10 : vector<1024x8192xf32>
    %sub3A_20 = arith.subf %add3A_16, %mul3A_19 : vector<1024x8192xf32>
    %iota3A = tpu.iota {dimensions = array<i32: 1>} : vector<1024x4096xi32>
    %slice3A = vector.extract_strided_slice %sub3A_20 {offsets = [0, 0], sizes = [1024, 4096], strides = [1, 1]} : vector<1024x8192xf32> to vector<1024x4096xf32>
    %reduce_min3A = arith.constant dense<0x7F800000> : vector<1024xf32>
    %reduce_min3A_21 = vector.multi_reduction <minimumf>, %slice3A, %reduce_min3A [1] : vector<1024x4096xf32> to vector<1024xf32>
    %broadcast_in_dim3A_22 = vector.shape_cast %reduce_min3A_21 : vector<1024xf32> to vector<1024x1xf32>
    %eq3A = vector.broadcast %broadcast_in_dim3A_22 : vector<1024x1xf32> to vector<1024x4096xf32>
    %eq3A_23 = arith.cmpf oeq, %slice3A, %eq3A : vector<1024x4096xf32>
    %jit3A = arith.constant 8192 : i32
    %broadcast_in_dim3A_24 = vector.broadcast %jit3A : i32 to vector<1024x4096xi32>
    %select_n3A = arith.select %eq3A_23, %iota3A, %broadcast_in_dim3A_24 : vector<1024x4096xi1>, vector<1024x4096xi32>
    %reduce_min3A_25 = arith.constant dense<2147483647> : vector<1024xi32>
    %reduce_min3A_26 = vector.multi_reduction <minsi>, %select_n3A, %reduce_min3A_25 [1] : vector<1024x4096xi32> to vector<1024xi32>
    %broadcast_in_dim3A_27 = vector.shape_cast %reduce_min3A_26 : vector<1024xi32> to vector<1024x1xi32>
    %slice3A_28 = vector.extract_strided_slice %sub3A_20 {offsets = [0, 4096], sizes = [1024, 4096], strides = [1, 1]} : vector<1024x8192xf32> to vector<1024x4096xf32>
    %reduce_min3A_29 = arith.constant dense<0x7F800000> : vector<1024xf32>
    %reduce_min3A_30 = vector.multi_reduction <minimumf>, %slice3A_28, %reduce_min3A_29 [1] : vector<1024x4096xf32> to vector<1024xf32>
    %broadcast_in_dim3A_31 = vector.shape_cast %reduce_min3A_30 : vector<1024xf32> to vector<1024x1xf32>
    %eq3A_32 = vector.broadcast %broadcast_in_dim3A_31 : vector<1024x1xf32> to vector<1024x4096xf32>
    %eq3A_33 = arith.cmpf oeq, %slice3A_28, %eq3A_32 : vector<1024x4096xf32>
    %jit3A_34 = arith.constant 8192 : i32
    %broadcast_in_dim3A_35 = vector.broadcast %jit3A_34 : i32 to vector<1024x4096xi32>
    %select_n3A_36 = arith.select %eq3A_33, %iota3A, %broadcast_in_dim3A_35 : vector<1024x4096xi1>, vector<1024x4096xi32>
    %reduce_min3A_37 = arith.constant dense<2147483647> : vector<1024xi32>
    %reduce_min3A_38 = vector.multi_reduction <minsi>, %select_n3A_36, %reduce_min3A_37 [1] : vector<1024x4096xi32> to vector<1024xi32>
    %broadcast_in_dim3A_39 = vector.shape_cast %reduce_min3A_38 : vector<1024xi32> to vector<1024x1xi32>
    %add3A_40 = arith.constant 4096 : i32
    %add3A_41 = vector.broadcast %add3A_40 : i32 to vector<1024x1xi32>
    %add3A_42 = arith.addi %broadcast_in_dim3A_39, %add3A_41 : vector<1024x1xi32>
    %convert_element_type3A_43 = arith.truncf %broadcast_in_dim3A_22 : vector<1024x1xf32> to vector<1024x1xbf16>
    %convert_element_type3A_44 = arith.extf %convert_element_type3A_43 : vector<1024x1xbf16> to vector<1024x1xf32>
    %lt3A = arith.cmpf olt, %broadcast_in_dim3A_31, %convert_element_type3A_44 : vector<1024x1xf32>
    %select_n3A_45 = arith.select %lt3A, %add3A_42, %broadcast_in_dim3A_27 : vector<1024x1xi1>, vector<1024x1xi32>
    %swap3A_46 = arith.constant 0 : index
    %swap3A_47 = arith.constant 0 : index
    %swap3A_48 = vector.load %arg5[%swap3A_46, %swap3A_47] : memref<1024x1xi32, #tpu.memory_space<vmem>>, vector<1024x1xi32>
    tpu.vector_store %arg5[%swap3A_46, %swap3A_47], %select_n3A_45 {strides = array<i32>} : memref<1024x1xi32, #tpu.memory_space<vmem>>, vector<1024x1xi32>,
    %reduce_sum3A_49 = arith.constant dense<0.000000e+00> : vector<1xf32>
    %reduce_sum3A_50 = vector.multi_reduction <add>, %broadcast_in_dim3A, %reduce_sum3A_49 [0] : vector<1024x1xf32> to vector<1xf32>
    %broadcast_in_dim3A_51 = vector.shape_cast %reduce_sum3A_50 : vector<1xf32> to vector<1x1xf32>
    %swap3A_52 = arith.constant 0 : index
    %swap3A_53 = arith.constant 0 : index
    %swap3A_54 = arith.constant 0 : index
    %swap3A_55 = vector.load %arg7[%swap3A_52, %swap3A_53, %swap3A_54] : memref<1x1x1xf32, #tpu.memory_space<vmem>>, vector<1x1x1xf32>
    %swap3A_56 = vector.shape_cast %swap3A_55 : vector<1x1x1xf32> to vector<1x1xf32>
    %swap3A_57 = vector.shape_cast %broadcast_in_dim3A_51 : vector<1x1xf32> to vector<1x1x1xf32>
    tpu.vector_store %arg7[%swap3A_52, %swap3A_53, %swap3A_54], %swap3A_57 {strides = array<i32>} : memref<1x1x1xf32, #tpu.memory_space<vmem>>, vector<1x1x1xf32>,
    return
  }
  func.func @transform_0(%arg0: i32) -> (i32, i32) {
    %c0_i32 = arith.constant 0 : i32
    %c0_i32_0 = arith.constant 0 : i32
    return %arg0, %c0_i32 : i32, i32
  }
  func.func @transform_1(%arg0: i32) -> (i32, i32) {
    %c0_i32 = arith.constant 0 : i32
    %c0_i32_0 = arith.constant 0 : i32
    return %arg0, %c0_i32 : i32, i32
  }
  func.func @transform_2(%arg0: i32) -> (i32, i32) {
    %c0_i32 = arith.constant 0 : i32
    %c0_i32_0 = arith.constant 0 : i32
    %c0_i32_1 = arith.constant 0 : i32
    return %c0_i32, %c0_i32_0 : i32, i32
  }
  func.func @transform_3(%arg0: i32) -> (i32, i32) {
    %c0_i32 = arith.constant 0 : i32
    %c0_i32_0 = arith.constant 0 : i32
    %c0_i32_1 = arith.constant 0 : i32
    return %c0_i32, %c0_i32_0 : i32, i32
  }
  func.func @transform_4(%arg0: i32) -> (i32, i32) {
    %c0_i32 = arith.constant 0 : i32
    %c0_i32_0 = arith.constant 0 : i32
    return %arg0, %c0_i32 : i32, i32
  }
  func.func @transform_5(%arg0: i32) -> (i32, i32) {
    %c0_i32 = arith.constant 0 : i32
    %c0_i32_0 = arith.constant 0 : i32
    return %arg0, %c0_i32 : i32, i32
  }
  func.func @transform_6(%arg0: i32) -> (i32, i32, i32) {
    %c0_i32 = arith.constant 0 : i32
    %c0_i32_0 = arith.constant 0 : i32
    %c0_i32_1 = arith.constant 0 : i32
    return %arg0, %c0_i32, %c0_i32_0 : i32, i32, i32
  }
}

module attributes {stable_mosaic.version = 14 : i64} {
  func.func @_final_body(%arg0: i32, %arg1: memref<1024x64xf32, #tpu.memory_space<vmem>>, %arg2: memref<1024x64xf32, #tpu.memory_space<vmem>>, %arg3: memref<1024x128xf32, #tpu.memory_space<vmem>>, %arg4: memref<1024x64xf32, #tpu.memory_space<vmem>>, %arg5: memref<1x1x1xf32, #tpu.memory_space<vmem>>) attributes {dimension_semantics = [#tpu.dimension_semantics<parallel>], iteration_bounds = array<i64: 8>, scalar_prefetch = 0 : i64, scratch_operands = 0 : i64, tpu.core_type = #tpu.core_type<tc>, window_params = [{transform_indices = @transform_0, window_bounds = array<i64: 1024, 64>}, {transform_indices = @transform_1, window_bounds = array<i64: 1024, 64>}, {transform_indices = @transform_2, window_bounds = array<i64: 1024, 128>}, {transform_indices = @transform_3, window_bounds = array<i64: 1024, 64>}, {transform_indices = @transform_4, window_bounds = array<i64: 1, 1, 1>}]} {
    %get3A = arith.constant 0 : index
    %get3A_0 = arith.constant 0 : index
    %get3A_1 = vector.load %arg2[%get3A, %get3A_0] : memref<1024x64xf32, #tpu.memory_space<vmem>>, vector<1024x64xf32>
    %get3A_2 = arith.constant 0 : index
    %get3A_3 = arith.constant 0 : index
    %get3A_4 = vector.load %arg3[%get3A_2, %get3A_3] : memref<1024x128xf32, #tpu.memory_space<vmem>>, vector<1024x64xf32>
    %sub3A = arith.subf %get3A_1, %get3A_4 : vector<1024x64xf32>
    %mul3A = arith.mulf %sub3A, %sub3A : vector<1024x64xf32>
    %reduce_sum3A = arith.constant dense<0.000000e+00> : vector<1024xf32>
    %reduce_sum3A_5 = vector.multi_reduction <add>, %mul3A, %reduce_sum3A [1] : vector<1024x64xf32> to vector<1024xf32>
    %broadcast_in_dim3A = vector.shape_cast %reduce_sum3A_5 : vector<1024xf32> to vector<1024x1xf32>
    %reduce_sum3A_6 = arith.constant dense<0.000000e+00> : vector<1xf32>
    %reduce_sum3A_7 = vector.multi_reduction <add>, %broadcast_in_dim3A, %reduce_sum3A_6 [0] : vector<1024x1xf32> to vector<1xf32>
    %broadcast_in_dim3A_8 = vector.shape_cast %reduce_sum3A_7 : vector<1xf32> to vector<1x1xf32>
    %swap3A = arith.constant 0 : index
    %swap3A_9 = arith.constant 0 : index
    %swap3A_10 = arith.constant 0 : index
    %swap3A_11 = vector.load %arg5[%swap3A, %swap3A_9, %swap3A_10] : memref<1x1x1xf32, #tpu.memory_space<vmem>>, vector<1x1x1xf32>
    %swap3A_12 = vector.shape_cast %swap3A_11 : vector<1x1x1xf32> to vector<1x1xf32>
    %swap3A_13 = vector.shape_cast %broadcast_in_dim3A_8 : vector<1x1xf32> to vector<1x1x1xf32>
    tpu.vector_store %arg5[%swap3A, %swap3A_9, %swap3A_10], %swap3A_13 {strides = array<i32>} : memref<1x1x1xf32, #tpu.memory_space<vmem>>, vector<1x1x1xf32>,
    %get3A_14 = arith.constant 0 : index
    %get3A_15 = arith.constant 0 : index
    %get3A_16 = vector.load %arg1[%get3A_14, %get3A_15] : memref<1024x64xf32, #tpu.memory_space<vmem>>, vector<1024x64xf32>
    %sub3A_17 = arith.subf %get3A_16, %sub3A : vector<1024x64xf32>
    %sub3A_18 = arith.subf %sub3A_17, %get3A_16 : vector<1024x64xf32>
    %add3A = arith.addf %get3A_16, %sub3A_18 : vector<1024x64xf32>
    %swap3A_19 = arith.constant 0 : index
    %swap3A_20 = arith.constant 0 : index
    %swap3A_21 = vector.load %arg4[%swap3A_19, %swap3A_20] : memref<1024x64xf32, #tpu.memory_space<vmem>>, vector<1024x64xf32>
    tpu.vector_store %arg4[%swap3A_19, %swap3A_20], %add3A {strides = array<i32>} : memref<1024x64xf32, #tpu.memory_space<vmem>>, vector<1024x64xf32>,
    return
  }
  func.func @transform_0(%arg0: i32) -> (i32, i32) {
    %c0_i32 = arith.constant 0 : i32
    %c0_i32_0 = arith.constant 0 : i32
    return %arg0, %c0_i32 : i32, i32
  }
  func.func @transform_1(%arg0: i32) -> (i32, i32) {
    %c0_i32 = arith.constant 0 : i32
    %c0_i32_0 = arith.constant 0 : i32
    return %arg0, %c0_i32 : i32, i32
  }
  func.func @transform_2(%arg0: i32) -> (i32, i32) {
    %c0_i32 = arith.constant 0 : i32
    %c0_i32_0 = arith.constant 0 : i32
    return %arg0, %c0_i32 : i32, i32
  }
  func.func @transform_3(%arg0: i32) -> (i32, i32) {
    %c0_i32 = arith.constant 0 : i32
    %c0_i32_0 = arith.constant 0 : i32
    return %arg0, %c0_i32 : i32, i32
  }
  func.func @transform_4(%arg0: i32) -> (i32, i32, i32) {
    %c0_i32 = arith.constant 0 : i32
    %c0_i32_0 = arith.constant 0 : i32
    %c0_i32_1 = arith.constant 0 : i32
    return %arg0, %c0_i32, %c0_i32_0 : i32, i32, i32
  }
}

</mosaic_0001>

<sc_bundles>
// kernel: kernel.12.cloned.1.call-start
scs
__scs_entry_jumppad:
0x0: {  	(pc) =	sbr.rel $0x88, $3  }
0x1: {  	(tag) =	ssettag $0x0;
	lr =	simm.s32 $0x1  }
0x2: {  	[smem:$0x3F9C] =	sst lr;
	_ =	strace $0xD0000000  }
0x3: {  	_ = 	snop  }
0x4: {  	_ = 	snop  }
0x5: {  	_ = 	snop  }
0x6: {  	_ = 	snop  }
0x7: {  	_ = 	snop  }
__scs_overlays_trampoline_lowered:
0x8: {  	[smem:$0x3FAB] =	sst s0  }
0x9: {  	[smem:$0x3FAC] =	sst s1  }
0xa: {  	[smem:$0x3FAD] =	sst s2  }
0xb: {  	[smem:$0x3FAE] =	sst s3  }
0xc: {  	[smem:$0x3FAF] =	sst s4  }
0xd: {  	[smem:$0x3FB0] =	sst s5  }
0xe: {  	[smem:$0x3FB1] =	sst s6  }
0xf: {  	[smem:$0x3FB2] =	sst s7  }
0x10: {  	[smem:$0x3FB3] =	sst s8  }
0x11: {  	[smem:$0x3FB4] =	sst s9;
	s0 =	simm.s32 @!p0 $0x0  }
0x12: {  	s1 =	sld [smem:$0x3F9A];
	s0 =	simm.s32 @p0 $0x1  }
0x13: {  	[smem:$0x3FB5] =	sst s0;
	s0 =	simm.s32 @!p1 $0x0  }
0x14: {  	s2 =	sld [smem:$0x3F99];
	s0 =	simm.s32 @p1 $0x1  }
0x15: {  	[smem:$0x3FB6] =	sst s0;
	s0 =	simm.s32 @!p2 $0x0  }
0x16: {  	s3 =	sld [smem:$0x3FDB];
	s0 =	simm.s32 @p2 $0x1  }
0x17: {  	s4 =	simm.s32 $0x1BF5;
	[smem:$0x3FB8] =	sst s0  }
0x18: {  	s0 =	sld [smem:$0x3F9B];
	_ =	swait.ge [sflag:s4], $0x0  }
0x19: {  	s7 =	sld [smem:$0x3F9C]  }
0x1a: {  	s8 =	sadd.s32 $0xFFFFE003, lr  }
0x1b: {  	s9 =	sadd.s32 $0xFFFFFEF7, lr;
	s5 =	simm.s32 $0xFFFFFFFF;
	p2 =	slt.u32 s8, $0xFFFFF086  }
0x1c: {  	p1 =	slt.u32 s9, $0xF7A;
	s5 =	simm.s32 @!p2 $0x0  }
0x1d: {  	s5 =	simm.s32 @p1 $0x1;
	p0 =	seq.s32 s7, s2  }
0x1e: {  	s7 =	smul.u32 @!p0 $0xF7A, s2;
	p2 =	seq.s32 @!p0 s5, $0x0  }
0x1f: {  	s9 =	smul.u32 $0xF7A, s1;
	s8 =	simm.s32 @!p0 $0x1BF5;
	p2 =	por !p2, p0  }
0x20: {  	[sflag:s8] =	ssyncset.s32 @!p0 $0xFFFFF086;
	s6 =	sadd.s32 @!p0 s3, s7;
	s7 =	simm.s32 @!p0 $0x108  }
0x21: {  	s3 =	sadd.s32 s3, s9;
	s6 =	sadd.s32 @!p0 $0x88, s6;
	s7 =	simm.s32 @p2 $0x1082  }
0x22: {  	[simem:s7], [sflag:s8] =	dma.local @!p0 [hbm:s6], $0xF7A  }
0x23: {  	s9 =	sor.u32 $0xD0000000, s2;
	s6 =	simm.s32 $0x108;
	_ =	swait.ge @!p0 [sflag:s8], $0x0  }
0x24: {  	s3 =	sadd.s32 $0x88, s3;
	s6 =	simm.s32 @!p1 $0x1082;
	[sflag:s4] =	ssyncset.s32 $0xFFFFF086  }
0x25: {  	[simem:s6], [sflag:s4] =	dma.local [hbm:s3], $0xF7A  }
0x26: {  	[smem:$0x3F9C] =	sst s1;
	(tag) =	ssettag s2;
	_ =	strace s9  }
0x27: {  	s1 =	sld [smem:$0x3FAC]  }
0x28: {  	s2 =	sld [smem:$0x3FAD]  }
0x29: {  	s4 =	sld [smem:$0x3FAF]  }
0x2a: {  	p0 =	seq.s32 s5, $0x0;
	s5 =	sld [smem:$0x3FB0]  }
0x2b: {  	s6 =	sld [smem:$0x3FB1]  }
0x2c: {  	s7 =	sld [smem:$0x3FB2]  }
0x2d: {  	s3 =	simm.s32 $0x108;
	s8 =	sld [smem:$0x3FB3]  }
0x2e: {  	s3 =	simm.s32 @!p0 $0x1082;
	s9 =	sld [smem:$0x3FB4]  }
0x2f: {  	lr =	sadd.s32 s0, s3;
	s0 =	sld [smem:$0x3FAB]  }
0x30: {  	s3 =	sld [smem:$0x3FAE]  }
0x31: {  	[smem:$0x3FB7] =	sst s10  }
0x32: {  	s10 =	sld [smem:$0x3FB5];
	_ =	sdelay $0x3  }
0x33: {  	p0 =	seq.s32 s10, $0x1;
	s10 =	sld [smem:$0x3FB7];
	_ =	sdelay $0x3  }
0x34: {  	[smem:$0x3FB7] =	sst s10  }
0x35: {  	s10 =	sld [smem:$0x3FB6];
	_ =	sdelay $0x3  }
0x36: {  	p1 =	seq.s32 s10, $0x1;
	s10 =	sld [smem:$0x3FB7];
	_ =	sdelay $0x3  }
0x37: {  	[smem:$0x3FB7] =	sst s10  }
0x38: {  	s10 =	sld [smem:$0x3FB8]  }
0x39: {  	_ = 	snop;
	(pc) =	sbr.ind lr, $3  }
0x3a: {  	_ = 	snop  }
0x3b: {  	_ = 	snop  }
0x3c: {  	p2 =	seq.s32 s10, $0x1;
	s10 =	sld [smem:$0x3FB7]  }
0x3d: {  	_ =	shalt  }
0x3e: {  	_ =	shalt  }
0x3f: {  	_ =	shalt  }
0x40: {  	_ =	shalt  }
0x41: {  	_ =	shalt  }
0x42: {  	_ =	shalt  }
0x43: {  	_ =	shalt  }
0x44: {  	_ =	shalt  }
0x45: {  	_ =	shalt  }
0x46: {  	_ =	shalt  }
0x47: {  	_ =	shalt  }
0x48: {  	_ =	shalt  }
0x49: {  	_ =	shalt  }
0x4a: {  	_ =	shalt  }
0x4b: {  	_ =	shalt  }
0x4c: {  	_ =	shalt  }
0x4d: {  	_ =	shalt  }
0x4e: {  	_ =	shalt  }
0x4f: {  	_ =	shalt  }
0x50: {  	_ =	shalt  }
0x51: {  	_ =	shalt  }
0x52: {  	_ =	shalt  }
0x53: {  	_ =	shalt  }
0x54: {  	_ =	shalt  }
0x55: {  	_ =	shalt  }
0x56: {  	_ =	shalt  }
0x57: {  	_ =	shalt  }
0x58: {  	_ =	shalt  }
0x59: {  	_ =	shalt  }
0x5a: {  	_ =	shalt  }
0x5b: {  	_ =	shalt  }
0x5c: {  	_ =	shalt  }
0x5d: {  	_ =	shalt  }
0x5e: {  	_ =	shalt  }
0x5f: {  	_ =	shalt  }
0x60: {  	_ =	shalt  }
0x61: {  	_ =	shalt  }
0x62: {  	_ =	shalt  }
0x63: {  	_ =	shalt  }
0x64: {  	_ =	shalt  }
0x65: {  	_ =	shalt  }
0x66: {  	_ =	shalt  }
0x67: {  	_ =	shalt  }
0x68: {  	_ =	shalt  }
0x69: {  	_ =	shalt  }
0x6a: {  	_ =	shalt  }
0x6b: {  	_ =	shalt  }
0x6c: {  	_ =	shalt  }
0x6d: {  	_ =	shalt  }
0x6e: {  	_ =	shalt  }
0x6f: {  	_ =	shalt  }
0x70: {  	_ =	shalt  }
0x71: {  	_ =	shalt  }
0x72: {  	_ =	shalt  }
0x73: {  	_ =	shalt  }
0x74: {  	_ =	shalt  }
0x75: {  	_ =	shalt  }
0x76: {  	_ =	shalt  }
0x77: {  	_ =	shalt  }
0x78: {  	_ =	shalt  }
0x79: {  	_ =	shalt  }
0x7a: {  	_ =	shalt  }
0x7b: {  	_ =	shalt  }
0x7c: {  	_ =	shalt  }
0x7d: {  	_ =	shalt  }
0x7e: {  	_ =	shalt  }
0x7f: {  	_ =	shalt  }
0x80: {  	_ =	shalt  }
0x81: {  	_ =	shalt  }
0x82: {  	_ =	shalt  }
0x83: {  	_ =	shalt  }
0x84: {  	_ =	shalt  }
0x85: {  	_ =	shalt  }
0x86: {  	_ =	shalt  }
0x87: {  	_ =	shalt  }
.Lfunc_end0:
.L_simem_size_0:
called_computation_lowered:
.L_overlay_start_0:
0x88: {  	s2 =	sld [smem:$0x3FD9]  }
0x89: {  	s3 =	sld [smem:$0x3FFE];
	_ =	sdelay $0x1  }
0x8a: {  	s1 =	srdreg.scid  }
0x8b: {  	s0 =	sand.u32 $0x1, s1  }
0x8c: {  	s14 =	sshll.u32 s0, $0xA;
	s2 =	sadd.s32 s3, s2  }
0x8d: {  	s2 =	sadd.s32 s2, s14  }
0x8e: {  	[smem:$0x3FC3] =	sst s2  }
0x8f: {  	_ = 	snop  }
0x90: {  	s2 =	sld [smem:$0x3FD0];
	_ =	sdelay $0x2  }
0x91: {  	s15 =	simm.s32 $0xA;
	s4 =	simm.s32 $0x10  }
0x92: {  	[smem:s4], [sflag:s15] =	dma.local [hbm:s2], $0x1  }
0x93: {  	_ =	swait.eq [sflag:s15], $0x1  }
0x94: {  	[sflag:s15] =	ssyncset.done $0x0  }
0x95: {  	s16 =	sld [smem:$0x10];
	[sflag:s15] =	ssyncadd.s32 $0xFFFFFFFF  }
0x96: {  	s17 =	sld [smem:$0x12];
	(tm) =	ssettm $0x1  }
0x97: {  	s18 =	sld [smem:$0x3FFB];
	_ =	sdelay $0x3  }
0x98: {  	_ =	strace s18  }
0x99: {  	s4 =	sld [smem:$0x3FFC];
	_ =	sdelay $0x3  }
0x9a: {  	_ =	strace s4  }
0x9b: {  	s4 =	sld [smem:$0x3FFD];
	_ =	sdelay $0x3  }
0x9c: {  	_ =	strace s4  }
0x9d: {  	_ =	strace $0x8FFFFFFF  }
0x9e: {  	s19 =	sld [smem:$0x3FDB];
	_ =	sdelay $0x1  }
0x9f: {  	s5 =	simm.s32 $_scs_section_size  }
0xa0: {  	s6 =	simm.s32 $_size__tile_overlayer_lowered;
	s7 =	simm.s32 $_tile_overlayer_lowered  }
0xa1: {  	s22 =	simm.s32 $0x1BFF;
	s21 =	sshll.u32 s7, $0x1;
	s4 =	sadd.s32 s5, s19  }
0xa2: {  	s8 =	simm.s32 $0x0;
	s20 =	sshll.u32 s6, $0x1;
	s6 =	sadd.s32 s21, s4  }
0xa3: {  	[timem:s8], [sflag:s22] =	dma.local [hbm:s6], s20  }
0xa4: {  	_ =	swait.ge [sflag:s22], s20  }
0xa5: {  	s5 =	ssub.s32 $0x0, s20;
	[sflag:s22] =	ssyncset.done $0x0  }
0xa6: {  	[sflag:s22] =	ssyncadd.s32 s5;
	_ =	sdelay $0x1  }
0xa7: {  	s23 =	simm.s32 $0x1B8B  }
0xa8: {  	_ =	swait.ge [sflag:s23], $0x1  }
0xa9: {  	[sflag:s23] =	ssyncset.done $0x0  }
0xaa: {  	s25 =	simm.s32 $0x1B8E;
	s24 =	sld [smem:$0x3FFE];
	[sflag:s23] =	ssyncadd.s32 $0xFFFFFFFF  }
0xab: {  	s26 =	simm.s32 $execute0_lowered;
	[smem:$0x3FD2] =	sst s25  }
0xac: {  	s6 =	sshll.u32 s26, $0x1;
	_ =	strace $0x80000046;
	[dreg:$0x1] =	wrdreg $0xFFFFFFFF  }
0xad: {  	s28 =	simm.s32 $_size_execute0_lowered;
	s4 =	sadd.s32 s4, s6;
	[dreg:$0x0] =	wrdreg $0x0  }
0xae: {  	s6 =	sshll.u32 s28, $0x1;
	[dreg:$0x2] =	wrdreg s4  }
0xaf: {  	[dreg:$0x3] =	wrdreg s6  }
0xb0: {  	[dreg:$0x4] =	wrdreg $0xC0  }
0xb1: {  	_ =	task [dreg:s8], $0x5FFFF  }
0xb2: {  	[dreg:$0x1] =	wrdreg $0xFFFFFFFF  }
0xb3: {  	[dreg:$0x0] =	wrdreg $0x60  }
0xb4: {  	[dreg:$0x2] =	wrdreg s24  }
0xb5: {  	[dreg:$0x3] =	wrdreg s17  }
0xb6: {  	[dreg:$0x4] =	wrdreg s16  }
0xb7: {  	[dreg:$0x5] =	wrdreg $0x9  }
0xb8: {  	_ =	task.clear_ibuf [dreg:s8], $0x6FFFF;
	_ =	strace $0x90000046  }
0xb9: {  	s29 =	simm.s32 $0x9;
	_ =	strace $0x80000048  }
0xba: {  	_ =	swait.ge [sflag:s29], $0x1  }
0xbb: {  	[sflag:s29] =	ssyncadd.s32 $0xFFFFFFFF  }
0xbc: {  	_ =	strace $0x90000048  }
0xbd: {  	_ =	sfence  }
0xbe: {  	s30 =	sld [smem:$0x0];
	_ =	sdelay $0x2  }
0xbf: {  	s31 =	sshll.u32 s1, $0xD;
	s1 =	sshrl.u32 s1, $0x2  }
0xc0: {  	s3 =	sand.u32 $0x4000, s31;
	s1 =	sadd.s32 s1, s30  }
0xc1: {  	s0 =	sor.u32 s3, s0;
	s1 =	sshll.u32 s1, $0x11  }
0xc2: {  	s0 =	sor.u32 s1, s0  }
0xc3: {  	s0 =	sadd.s32 $0x8F2B, s0  }
0xc4: {  	[sflag:s0] =	ssyncadd.remote.s32 $0x1  }
0xc5: {  	_ =	sfence.sel $0xFFFF  }
0xc6: {  	[dreg:$0x0] =	wrdreg $0xFFFFFFFF;
	(pc) =	sbr.abs _section_cstart, $3  }
0xc7: {  	[dreg:$0x1] =	wrdreg $0xFFFFFFFF  }
0xc8: {  	_ =	task.clear_ibuf [dreg:s8], $0x2FFFF;
	_ =	strace $0x9FFFFFFF  }
0xc9: {  	(tm) =	ssettm $0x7FFFFFFF  }
tec
execute0_lowered:
.L_overlay_start_1:
0x0: {  	(tag) =	ssettag $0x1  }
0x1: {  	s5 =	rddreg [dreg:$0x0]  }
0x2: {  	s1 =	srdreg.scid;
	s3 =	rddreg [dreg:$0x1]  }
0x3: {  	s0 =	stileid.u32;
	s8 =	rddreg [dreg:$0x2];
	s6 =	sand.u32 $0x1, s1  }
0x4: {  	s2 =	simm.s32 $0x0;
	s4 =	sshll.u32 s0, $0x9;
	s7 =	sshll.u32 s6, $0x8  }
0x5: {  	[smem:$0x7FF] =	sst s2;
	s9 =	sor.u32 s7, s4  }
0x6: {  	s1 =	rddreg [dreg:$0x3];
	_ =	strace $0x80000047;
	s4 =	sshrl.u32 s9, $0x3  }
0x7: {  	s10 =	ssub.s32 $0x2, s6;
	s4 =	sadd.s32 s3, s4;
	s3 =	simm.s32 $0x2  }
0x8: {  	[tilespmem:s2], [sflag:$0x2] =	stream.linear.gather [hbm4b:s4+s2], $0x100, $0x38;
	[tilespmem:$0x8100] =	vst v63  }
0x9: {  	s5 =	sadd.s32 $0x61E00, s5;
	s11 =	sshrl.u32 s10, $0x1;
	_ =	swait.ge [sflag:s3], $0x100  }
0xa: {  	s6 =	simm.s32 $0x100;
	s10 =	ssub.s32 s10, s11;
	[sflag:s3] =	ssyncset.done $0x0  }
0xb: {  	s7 =	simm.s32 $0x1;
	s31 =	smax.u32 s10, $0x1;
	[sflag:s3] =	ssyncadd.s32 $0xFFFFFF00  }
0xc: {  	[tilespmem:s6], [sflag:$0x1] =	stream.indirect.gather [hbm4b:s5+s6], $0x80, s2, s6, $0xb8;
	[tilespmem:$0x8100] =	vst v63  }
0xd: {  	p0 =	sne.s32 s31, $0x1;
	_ =	swait.ge [sflag:s7], $0x8000  }
.Ltmp0:
0xe: {  	s9 =	sshll.u32 s9, $0x4;
	[sflag:s7] =	ssyncset.done $0x0;
	(pc) =	sbr.rel @!p0 .LBB2_2-.Ltmp0, $4  }
0xf: {  	s8 =	sadd.s32 s8, s9;
	[sflag:s7] =	ssyncadd.s32 $0xFFFF8000  }
0x10: {  	[hbm4b:s8+s2] =	stream.linear.scatter [tilespmem:s6], [sflag:$0x2], $0x8000, $0x38;
	[tilespmem:$0x8100] =	vst v63  }
0x11: {  	_ =	swait.ge [sflag:s3], $0x8000  }
0x12: {  	s9 =	sadd.s32 $0xFFFFFFFF, s31;
	[sflag:s3] =	ssyncset.done $0x0  }
.LBB2_1:
0x13: {  	p0 =	sne.s32 s9, $0x1;
	s9 =	sadd.s32 $0xFFFFFFFF, s9;
	[sflag:s3] =	ssyncadd.s32 $0xFFFF8000  }
0x14: {  	[tilespmem:s2], [sflag:$0x2] =	stream.linear.gather [hbm4b:s4+s2], $0x100, $0x38;
	[tilespmem:$0x8100] =	vst v63  }
0x15: {  	_ =	swait.ge [sflag:s3], $0x100  }
0x16: {  	[sflag:s3] =	ssyncset.done $0x0  }
0x17: {  	[sflag:s3] =	ssyncadd.s32 $0xFFFFFF00  }
0x18: {  	[tilespmem:s6], [sflag:$0x1] =	stream.indirect.gather [hbm4b:s5+s6], $0x80, s2, s6, $0xb8;
	[tilespmem:$0x8100] =	vst v63  }
0x19: {  	_ =	swait.ge [sflag:s7], $0x8000  }
.Ltmp1:
0x1a: {  	[sflag:s7] =	ssyncset.done $0x0;
	(pc) =	sbr.rel @p0 .LBB2_1-.Ltmp1, $4  }
0x1b: {  	[sflag:s7] =	ssyncadd.s32 $0xFFFF8000  }
0x1c: {  	[hbm4b:s8+s2] =	stream.linear.scatter [tilespmem:s6], [sflag:$0x2], $0x8000, $0x38;
	[tilespmem:$0x8100] =	vst v63  }
0x1d: {  	_ =	swait.ge [sflag:s3], $0x8000  }
0x1e: {  	[sflag:s3] =	ssyncset.done $0x0  }
.LBB2_2:
0x1f: {  	[sflag:s3] =	ssyncadd.s32 $0xFFFF8000  }
0x20: {  	_ =	sfence.sel $0x180000  }
0x21: {  	[bflag:$0x0] =	sbarrier.arrive $0xFFFF  }
0x22: {  	p0 =	sne.s32 s0, $0x0;
	_ =	strace $0x90000047  }
0x23: {  	s0 =	sadd.s32 @!p0 $0x100000, s1;
	[bflag:$0x2] =	sbarrier.arrive $0xFFFF  }
0x24: {  	[sflag:s0] =	ssyncadd.tile.s32 @!p0 $0x1;
	_ =	shalt  }
.Lfunc_end2:
_tile_overlayer_lowered:
.L_overlay_start_2:
0x25: {  	(tag) =	ssettag $0x2  }
0x26: {  	s0 =	rddreg [dreg:$0x0];
	s2 =	stileid.u32  }
0x27: {  	s1 =	rddreg [dreg:$0x1];
	p0 =	sne.s32 s2, $0x0  }
0x28: {  	s3 =	rddreg [dreg:$0x2];
	[bflag:$0x3] =	sbarrier.arrive $0xFFFF;
	s2 =	simm.s32 @!p0 $0x1C02  }
0x29: {  	[timem:s3], [sflag:s2] =	dma.local @!p0 [hbm:s0], s1  }
0x2a: {  	s0 =	simm.s32 @!p0 $0x2  }
0x2b: {  	_ =	swait.ge @!p0 [sflag:s0], s1  }
0x2c: {  	s1 =	ssub.s32 @!p0 $0x0, s1;
	[sflag:s0] =	ssyncset.done @!p0 $0x0  }
0x2d: {  	[sflag:s0] =	ssyncadd.s32 @!p0 s1  }
0x2e: {  	[bflag:$0x3] =	sbarrier.arrive $0xFFFF  }
0x2f: {  	_ =	shalt  }

// kernel: kernel.15.cloned.1.call-start
scs
__scs_entry_jumppad:
0x0: {  	(pc) =	sbr.rel $0x88, $3  }
0x1: {  	(tag) =	ssettag $0x0;
	lr =	simm.s32 $0x1  }
0x2: {  	[smem:$0x3F9C] =	sst lr;
	_ =	strace $0xD0000000  }
0x3: {  	_ = 	snop  }
0x4: {  	_ = 	snop  }
0x5: {  	_ = 	snop  }
0x6: {  	_ = 	snop  }
0x7: {  	_ = 	snop  }
__scs_overlays_trampoline_lowered:
0x8: {  	[smem:$0x3FAB] =	sst s0  }
0x9: {  	[smem:$0x3FAC] =	sst s1  }
0xa: {  	[smem:$0x3FAD] =	sst s2  }
0xb: {  	[smem:$0x3FAE] =	sst s3  }
0xc: {  	[smem:$0x3FAF] =	sst s4  }
0xd: {  	[smem:$0x3FB0] =	sst s5  }
0xe: {  	[smem:$0x3FB1] =	sst s6  }
0xf: {  	[smem:$0x3FB2] =	sst s7  }
0x10: {  	[smem:$0x3FB3] =	sst s8  }
0x11: {  	[smem:$0x3FB4] =	sst s9;
	s0 =	simm.s32 @!p0 $0x0  }
0x12: {  	s1 =	sld [smem:$0x3F9A];
	s0 =	simm.s32 @p0 $0x1  }
0x13: {  	[smem:$0x3FB5] =	sst s0;
	s0 =	simm.s32 @!p1 $0x0  }
0x14: {  	s2 =	sld [smem:$0x3F99];
	s0 =	simm.s32 @p1 $0x1  }
0x15: {  	[smem:$0x3FB6] =	sst s0;
	s0 =	simm.s32 @!p2 $0x0  }
0x16: {  	s3 =	sld [smem:$0x3FDB];
	s0 =	simm.s32 @p2 $0x1  }
0x17: {  	s4 =	simm.s32 $0x1BF5;
	[smem:$0x3FB8] =	sst s0  }
0x18: {  	s0 =	sld [smem:$0x3F9B];
	_ =	swait.ge [sflag:s4], $0x0  }
0x19: {  	s7 =	sld [smem:$0x3F9C]  }
0x1a: {  	s8 =	sadd.s32 $0xFFFFE003, lr  }
0x1b: {  	s9 =	sadd.s32 $0xFFFFFEF7, lr;
	s5 =	simm.s32 $0xFFFFFFFF;
	p2 =	slt.u32 s8, $0xFFFFF086  }
0x1c: {  	p1 =	slt.u32 s9, $0xF7A;
	s5 =	simm.s32 @!p2 $0x0  }
0x1d: {  	s5 =	simm.s32 @p1 $0x1;
	p0 =	seq.s32 s7, s2  }
0x1e: {  	s7 =	smul.u32 @!p0 $0xF7A, s2;
	p2 =	seq.s32 @!p0 s5, $0x0  }
0x1f: {  	s9 =	smul.u32 $0xF7A, s1;
	s8 =	simm.s32 @!p0 $0x1BF5;
	p2 =	por !p2, p0  }
0x20: {  	[sflag:s8] =	ssyncset.s32 @!p0 $0xFFFFF086;
	s6 =	sadd.s32 @!p0 s3, s7;
	s7 =	simm.s32 @!p0 $0x108  }
0x21: {  	s3 =	sadd.s32 s3, s9;
	s6 =	sadd.s32 @!p0 $0x88, s6;
	s7 =	simm.s32 @p2 $0x1082  }
0x22: {  	[simem:s7], [sflag:s8] =	dma.local @!p0 [hbm:s6], $0xF7A  }
0x23: {  	s9 =	sor.u32 $0xD0000000, s2;
	s6 =	simm.s32 $0x108;
	_ =	swait.ge @!p0 [sflag:s8], $0x0  }
0x24: {  	s3 =	sadd.s32 $0x88, s3;
	s6 =	simm.s32 @!p1 $0x1082;
	[sflag:s4] =	ssyncset.s32 $0xFFFFF086  }
0x25: {  	[simem:s6], [sflag:s4] =	dma.local [hbm:s3], $0xF7A  }
0x26: {  	[smem:$0x3F9C] =	sst s1;
	(tag) =	ssettag s2;
	_ =	strace s9  }
0x27: {  	s1 =	sld [smem:$0x3FAC]  }
0x28: {  	s2 =	sld [smem:$0x3FAD]  }
0x29: {  	s4 =	sld [smem:$0x3FAF]  }
0x2a: {  	p0 =	seq.s32 s5, $0x0;
	s5 =	sld [smem:$0x3FB0]  }
0x2b: {  	s6 =	sld [smem:$0x3FB1]  }
0x2c: {  	s7 =	sld [smem:$0x3FB2]  }
0x2d: {  	s3 =	simm.s32 $0x108;
	s8 =	sld [smem:$0x3FB3]  }
0x2e: {  	s3 =	simm.s32 @!p0 $0x1082;
	s9 =	sld [smem:$0x3FB4]  }
0x2f: {  	lr =	sadd.s32 s0, s3;
	s0 =	sld [smem:$0x3FAB]  }
0x30: {  	s3 =	sld [smem:$0x3FAE]  }
0x31: {  	[smem:$0x3FB7] =	sst s10  }
0x32: {  	s10 =	sld [smem:$0x3FB5];
	_ =	sdelay $0x3  }
0x33: {  	p0 =	seq.s32 s10, $0x1;
	s10 =	sld [smem:$0x3FB7];
	_ =	sdelay $0x3  }
0x34: {  	[smem:$0x3FB7] =	sst s10  }
0x35: {  	s10 =	sld [smem:$0x3FB6];
	_ =	sdelay $0x3  }
0x36: {  	p1 =	seq.s32 s10, $0x1;
	s10 =	sld [smem:$0x3FB7];
	_ =	sdelay $0x3  }
0x37: {  	[smem:$0x3FB7] =	sst s10  }
0x38: {  	s10 =	sld [smem:$0x3FB8]  }
0x39: {  	_ = 	snop;
	(pc) =	sbr.ind lr, $3  }
0x3a: {  	_ = 	snop  }
0x3b: {  	_ = 	snop  }
0x3c: {  	p2 =	seq.s32 s10, $0x1;
	s10 =	sld [smem:$0x3FB7]  }
0x3d: {  	_ =	shalt  }
0x3e: {  	_ =	shalt  }
0x3f: {  	_ =	shalt  }
0x40: {  	_ =	shalt  }
0x41: {  	_ =	shalt  }
0x42: {  	_ =	shalt  }
0x43: {  	_ =	shalt  }
0x44: {  	_ =	shalt  }
0x45: {  	_ =	shalt  }
0x46: {  	_ =	shalt  }
0x47: {  	_ =	shalt  }
0x48: {  	_ =	shalt  }
0x49: {  	_ =	shalt  }
0x4a: {  	_ =	shalt  }
0x4b: {  	_ =	shalt  }
0x4c: {  	_ =	shalt  }
0x4d: {  	_ =	shalt  }
0x4e: {  	_ =	shalt  }
0x4f: {  	_ =	shalt  }
0x50: {  	_ =	shalt  }
0x51: {  	_ =	shalt  }
0x52: {  	_ =	shalt  }
0x53: {  	_ =	shalt  }
0x54: {  	_ =	shalt  }
0x55: {  	_ =	shalt  }
0x56: {  	_ =	shalt  }
0x57: {  	_ =	shalt  }
0x58: {  	_ =	shalt  }
0x59: {  	_ =	shalt  }
0x5a: {  	_ =	shalt  }
0x5b: {  	_ =	shalt  }
0x5c: {  	_ =	shalt  }
0x5d: {  	_ =	shalt  }
0x5e: {  	_ =	shalt  }
0x5f: {  	_ =	shalt  }
0x60: {  	_ =	shalt  }
0x61: {  	_ =	shalt  }
0x62: {  	_ =	shalt  }
0x63: {  	_ =	shalt  }
0x64: {  	_ =	shalt  }
0x65: {  	_ =	shalt  }
0x66: {  	_ =	shalt  }
0x67: {  	_ =	shalt  }
0x68: {  	_ =	shalt  }
0x69: {  	_ =	shalt  }
0x6a: {  	_ =	shalt  }
0x6b: {  	_ =	shalt  }
0x6c: {  	_ =	shalt  }
0x6d: {  	_ =	shalt  }
0x6e: {  	_ =	shalt  }
0x6f: {  	_ =	shalt  }
0x70: {  	_ =	shalt  }
0x71: {  	_ =	shalt  }
0x72: {  	_ =	shalt  }
0x73: {  	_ =	shalt  }
0x74: {  	_ =	shalt  }
0x75: {  	_ =	shalt  }
0x76: {  	_ =	shalt  }
0x77: {  	_ =	shalt  }
0x78: {  	_ =	shalt  }
0x79: {  	_ =	shalt  }
0x7a: {  	_ =	shalt  }
0x7b: {  	_ =	shalt  }
0x7c: {  	_ =	shalt  }
0x7d: {  	_ =	shalt  }
0x7e: {  	_ =	shalt  }
0x7f: {  	_ =	shalt  }
0x80: {  	_ =	shalt  }
0x81: {  	_ =	shalt  }
0x82: {  	_ =	shalt  }
0x83: {  	_ =	shalt  }
0x84: {  	_ =	shalt  }
0x85: {  	_ =	shalt  }
0x86: {  	_ =	shalt  }
0x87: {  	_ =	shalt  }
.Lfunc_end0:
.L_simem_size_0:
called_computation.1_lowered:
.L_overlay_start_0:
0x88: {  	s2 =	sld [smem:$0x3FD9]  }
0x89: {  	s3 =	sld [smem:$0x3FFE];
	_ =	sdelay $0x1  }
0x8a: {  	s1 =	srdreg.scid  }
0x8b: {  	s0 =	sand.u32 $0x1, s1  }
0x8c: {  	s14 =	sshll.u32 s0, $0xA;
	s2 =	sadd.s32 s3, s2  }
0x8d: {  	s2 =	sadd.s32 s2, s14  }
0x8e: {  	[smem:$0x3FC3] =	sst s2  }
0x8f: {  	_ = 	snop  }
0x90: {  	s2 =	sld [smem:$0x3FD0];
	_ =	sdelay $0x2  }
0x91: {  	s15 =	simm.s32 $0xA;
	s4 =	simm.s32 $0x10  }
0x92: {  	[smem:s4], [sflag:s15] =	dma.local [hbm:s2], $0x1  }
0x93: {  	_ =	swait.eq [sflag:s15], $0x1  }
0x94: {  	[sflag:s15] =	ssyncset.done $0x0  }
0x95: {  	s16 =	sld [smem:$0x10];
	[sflag:s15] =	ssyncadd.s32 $0xFFFFFFFF  }
0x96: {  	s17 =	sld [smem:$0x12];
	(tm) =	ssettm $0x1  }
0x97: {  	s18 =	sld [smem:$0x3FFB];
	_ =	sdelay $0x3  }
0x98: {  	_ =	strace s18  }
0x99: {  	s4 =	sld [smem:$0x3FFC];
	_ =	sdelay $0x3  }
0x9a: {  	_ =	strace s4  }
0x9b: {  	s4 =	sld [smem:$0x3FFD];
	_ =	sdelay $0x3  }
0x9c: {  	_ =	strace s4  }
0x9d: {  	_ =	strace $0x8FFFFFFF  }
0x9e: {  	s19 =	sld [smem:$0x3FDB];
	_ =	sdelay $0x1  }
0x9f: {  	s5 =	simm.s32 $_scs_section_size  }
0xa0: {  	s6 =	simm.s32 $_size__tile_overlayer_lowered;
	s7 =	simm.s32 $_tile_overlayer_lowered  }
0xa1: {  	s22 =	simm.s32 $0x1BFF;
	s21 =	sshll.u32 s7, $0x1;
	s4 =	sadd.s32 s5, s19  }
0xa2: {  	s8 =	simm.s32 $0x0;
	s20 =	sshll.u32 s6, $0x1;
	s6 =	sadd.s32 s21, s4  }
0xa3: {  	[timem:s8], [sflag:s22] =	dma.local [hbm:s6], s20  }
0xa4: {  	_ =	swait.ge [sflag:s22], s20  }
0xa5: {  	s5 =	ssub.s32 $0x0, s20;
	[sflag:s22] =	ssyncset.done $0x0  }
0xa6: {  	[sflag:s22] =	ssyncadd.s32 s5;
	_ =	sdelay $0x1  }
0xa7: {  	s23 =	simm.s32 $0x1B8B  }
0xa8: {  	_ =	swait.ge [sflag:s23], $0x1  }
0xa9: {  	[sflag:s23] =	ssyncset.done $0x0  }
0xaa: {  	s25 =	simm.s32 $0x1B8E;
	s24 =	sld [smem:$0x3FFE];
	[sflag:s23] =	ssyncadd.s32 $0xFFFFFFFF  }
0xab: {  	s26 =	simm.s32 $execute0_lowered;
	[smem:$0x3FD2] =	sst s25  }
0xac: {  	s6 =	sshll.u32 s26, $0x1;
	_ =	strace $0x80000049;
	[dreg:$0x1] =	wrdreg $0xFFFFFFFF  }
0xad: {  	s28 =	simm.s32 $_size_execute0_lowered;
	s4 =	sadd.s32 s4, s6;
	[dreg:$0x0] =	wrdreg $0x0  }
0xae: {  	s6 =	sshll.u32 s28, $0x1;
	[dreg:$0x2] =	wrdreg s4  }
0xaf: {  	[dreg:$0x3] =	wrdreg s6  }
0xb0: {  	[dreg:$0x4] =	wrdreg $0xC0  }
0xb1: {  	_ =	task [dreg:s8], $0x5FFFF  }
0xb2: {  	[dreg:$0x1] =	wrdreg $0xFFFFFFFF  }
0xb3: {  	[dreg:$0x0] =	wrdreg $0x60  }
0xb4: {  	[dreg:$0x2] =	wrdreg s24  }
0xb5: {  	[dreg:$0x3] =	wrdreg s17  }
0xb6: {  	[dreg:$0x4] =	wrdreg s16  }
0xb7: {  	[dreg:$0x5] =	wrdreg $0x9  }
0xb8: {  	_ =	task.clear_ibuf [dreg:s8], $0x6FFFF;
	_ =	strace $0x90000049  }
0xb9: {  	s29 =	simm.s32 $0x9;
	_ =	strace $0x8000004B  }
0xba: {  	_ =	swait.ge [sflag:s29], $0x1  }
0xbb: {  	[sflag:s29] =	ssyncadd.s32 $0xFFFFFFFF  }
0xbc: {  	_ =	strace $0x9000004B  }
0xbd: {  	_ =	sfence  }
0xbe: {  	s30 =	sld [smem:$0x0];
	_ =	sdelay $0x2  }
0xbf: {  	s31 =	sshll.u32 s1, $0xD;
	s1 =	sshrl.u32 s1, $0x2  }
0xc0: {  	s3 =	sand.u32 $0x4000, s31;
	s1 =	sadd.s32 s1, s30  }
0xc1: {  	s0 =	sor.u32 s3, s0;
	s1 =	sshll.u32 s1, $0x11  }
0xc2: {  	s0 =	sor.u32 s1, s0  }
0xc3: {  	s0 =	sadd.s32 $0x8F2B, s0  }
0xc4: {  	[sflag:s0] =	ssyncadd.remote.s32 $0x1  }
0xc5: {  	_ =	sfence.sel $0xFFFF  }
0xc6: {  	[dreg:$0x0] =	wrdreg $0xFFFFFFFF;
	(pc) =	sbr.abs _section_cstart, $3  }
0xc7: {  	[dreg:$0x1] =	wrdreg $0xFFFFFFFF  }
0xc8: {  	_ =	task.clear_ibuf [dreg:s8], $0x2FFFF;
	_ =	strace $0x9FFFFFFF  }
0xc9: {  	(tm) =	ssettm $0x7FFFFFFF  }
tec
execute0_lowered:
.L_overlay_start_1:
0x0: {  	(tag) =	ssettag $0x1  }
0x1: {  	s5 =	rddreg [dreg:$0x0]  }
0x2: {  	s1 =	srdreg.scid;
	s3 =	rddreg [dreg:$0x1]  }
0x3: {  	s0 =	stileid.u32;
	s8 =	rddreg [dreg:$0x2];
	s6 =	sand.u32 $0x1, s1  }
0x4: {  	s2 =	simm.s32 $0x0;
	s4 =	sshll.u32 s0, $0x9;
	s7 =	sshll.u32 s6, $0x8  }
0x5: {  	[smem:$0x7FF] =	sst s2;
	s9 =	sor.u32 s7, s4  }
0x6: {  	s1 =	rddreg [dreg:$0x3];
	_ =	strace $0x8000004A;
	s4 =	sshrl.u32 s9, $0x3  }
0x7: {  	s10 =	ssub.s32 $0x2, s6;
	s4 =	sadd.s32 s3, s4;
	s3 =	simm.s32 $0x2  }
0x8: {  	[tilespmem:s2], [sflag:$0x2] =	stream.linear.gather [hbm4b:s4+s2], $0x100, $0x38;
	[tilespmem:$0x8100] =	vst v63  }
0x9: {  	s5 =	sadd.s32 $0x1800, s5;
	s11 =	sshrl.u32 s10, $0x1;
	_ =	swait.ge [sflag:s3], $0x100  }
0xa: {  	s6 =	simm.s32 $0x100;
	s10 =	ssub.s32 s10, s11;
	[sflag:s3] =	ssyncset.done $0x0  }
0xb: {  	s7 =	simm.s32 $0x1;
	s31 =	smax.u32 s10, $0x1;
	[sflag:s3] =	ssyncadd.s32 $0xFFFFFF00  }
0xc: {  	[tilespmem:s6], [sflag:$0x1] =	stream.indirect.gather [hbm4b:s5+s6], $0x80, s2, s6, $0xb8;
	[tilespmem:$0x8100] =	vst v63  }
0xd: {  	p0 =	sne.s32 s31, $0x1;
	_ =	swait.ge [sflag:s7], $0x8000  }
.Ltmp0:
0xe: {  	s9 =	sshll.u32 s9, $0x4;
	[sflag:s7] =	ssyncset.done $0x0;
	(pc) =	sbr.rel @!p0 .LBB2_2-.Ltmp0, $4  }
0xf: {  	s8 =	sadd.s32 s8, s9;
	[sflag:s7] =	ssyncadd.s32 $0xFFFF8000  }
0x10: {  	[hbm4b:s8+s2] =	stream.linear.scatter [tilespmem:s6], [sflag:$0x2], $0x8000, $0x38;
	[tilespmem:$0x8100] =	vst v63  }
0x11: {  	_ =	swait.ge [sflag:s3], $0x8000  }
0x12: {  	s9 =	sadd.s32 $0xFFFFFFFF, s31;
	[sflag:s3] =	ssyncset.done $0x0  }
.LBB2_1:
0x13: {  	p0 =	sne.s32 s9, $0x1;
	s9 =	sadd.s32 $0xFFFFFFFF, s9;
	[sflag:s3] =	ssyncadd.s32 $0xFFFF8000  }
0x14: {  	[tilespmem:s2], [sflag:$0x2] =	stream.linear.gather [hbm4b:s4+s2], $0x100, $0x38;
	[tilespmem:$0x8100] =	vst v63  }
0x15: {  	_ =	swait.ge [sflag:s3], $0x100  }
0x16: {  	[sflag:s3] =	ssyncset.done $0x0  }
0x17: {  	[sflag:s3] =	ssyncadd.s32 $0xFFFFFF00  }
0x18: {  	[tilespmem:s6], [sflag:$0x1] =	stream.indirect.gather [hbm4b:s5+s6], $0x80, s2, s6, $0xb8;
	[tilespmem:$0x8100] =	vst v63  }
0x19: {  	_ =	swait.ge [sflag:s7], $0x8000  }
.Ltmp1:
0x1a: {  	[sflag:s7] =	ssyncset.done $0x0;
	(pc) =	sbr.rel @p0 .LBB2_1-.Ltmp1, $4  }
0x1b: {  	[sflag:s7] =	ssyncadd.s32 $0xFFFF8000  }
0x1c: {  	[hbm4b:s8+s2] =	stream.linear.scatter [tilespmem:s6], [sflag:$0x2], $0x8000, $0x38;
	[tilespmem:$0x8100] =	vst v63  }
0x1d: {  	_ =	swait.ge [sflag:s3], $0x8000  }
0x1e: {  	[sflag:s3] =	ssyncset.done $0x0  }
.LBB2_2:
0x1f: {  	[sflag:s3] =	ssyncadd.s32 $0xFFFF8000  }
0x20: {  	_ =	sfence.sel $0x180000  }
0x21: {  	[bflag:$0x0] =	sbarrier.arrive $0xFFFF  }
0x22: {  	p0 =	sne.s32 s0, $0x0;
	_ =	strace $0x9000004A  }
0x23: {  	s0 =	sadd.s32 @!p0 $0x100000, s1;
	[bflag:$0x2] =	sbarrier.arrive $0xFFFF  }
0x24: {  	[sflag:s0] =	ssyncadd.tile.s32 @!p0 $0x1;
	_ =	shalt  }
.Lfunc_end2:
_tile_overlayer_lowered:
.L_overlay_start_2:
0x25: {  	(tag) =	ssettag $0x2  }
0x26: {  	s0 =	rddreg [dreg:$0x0];
	s2 =	stileid.u32  }
0x27: {  	s1 =	rddreg [dreg:$0x1];
	p0 =	sne.s32 s2, $0x0  }
0x28: {  	s3 =	rddreg [dreg:$0x2];
	[bflag:$0x3] =	sbarrier.arrive $0xFFFF;
	s2 =	simm.s32 @!p0 $0x1C02  }
0x29: {  	[timem:s3], [sflag:s2] =	dma.local @!p0 [hbm:s0], s1  }
0x2a: {  	s0 =	simm.s32 @!p0 $0x2  }
0x2b: {  	_ =	swait.ge @!p0 [sflag:s0], s1  }
0x2c: {  	s1 =	ssub.s32 @!p0 $0x0, s1;
	[sflag:s0] =	ssyncset.done @!p0 $0x0  }
0x2d: {  	[sflag:s0] =	ssyncadd.s32 @!p0 s1  }
0x2e: {  	[bflag:$0x3] =	sbarrier.arrive $0xFFFF  }
0x2f: {  	_ =	shalt  }

// kernel: kernel.18.cloned.1.call-start
scs
__scs_entry_jumppad:
0x0: {  	(pc) =	sbr.rel $0x88, $3  }
0x1: {  	(tag) =	ssettag $0x0;
	lr =	simm.s32 $0x1  }
0x2: {  	[smem:$0x3F9C] =	sst lr;
	_ =	strace $0xD0000000  }
0x3: {  	_ = 	snop  }
0x4: {  	_ = 	snop  }
0x5: {  	_ = 	snop  }
0x6: {  	_ = 	snop  }
0x7: {  	_ = 	snop  }
__scs_overlays_trampoline_lowered:
0x8: {  	[smem:$0x3FAB] =	sst s0  }
0x9: {  	[smem:$0x3FAC] =	sst s1  }
0xa: {  	[smem:$0x3FAD] =	sst s2  }
0xb: {  	[smem:$0x3FAE] =	sst s3  }
0xc: {  	[smem:$0x3FAF] =	sst s4  }
0xd: {  	[smem:$0x3FB0] =	sst s5  }
0xe: {  	[smem:$0x3FB1] =	sst s6  }
0xf: {  	[smem:$0x3FB2] =	sst s7  }
0x10: {  	[smem:$0x3FB3] =	sst s8  }
0x11: {  	[smem:$0x3FB4] =	sst s9;
	s0 =	simm.s32 @!p0 $0x0  }
0x12: {  	s1 =	sld [smem:$0x3F9A];
	s0 =	simm.s32 @p0 $0x1  }
0x13: {  	[smem:$0x3FB5] =	sst s0;
	s0 =	simm.s32 @!p1 $0x0  }
0x14: {  	s2 =	sld [smem:$0x3F99];
	s0 =	simm.s32 @p1 $0x1  }
0x15: {  	[smem:$0x3FB6] =	sst s0;
	s0 =	simm.s32 @!p2 $0x0  }
0x16: {  	s3 =	sld [smem:$0x3FDB];
	s0 =	simm.s32 @p2 $0x1  }
0x17: {  	s4 =	simm.s32 $0x1BF5;
	[smem:$0x3FB8] =	sst s0  }
0x18: {  	s0 =	sld [smem:$0x3F9B];
	_ =	swait.ge [sflag:s4], $0x0  }
0x19: {  	s7 =	sld [smem:$0x3F9C]  }
0x1a: {  	s8 =	sadd.s32 $0xFFFFE003, lr  }
0x1b: {  	s9 =	sadd.s32 $0xFFFFFEF7, lr;
	s5 =	simm.s32 $0xFFFFFFFF;
	p2 =	slt.u32 s8, $0xFFFFF086  }
0x1c: {  	p1 =	slt.u32 s9, $0xF7A;
	s5 =	simm.s32 @!p2 $0x0  }
0x1d: {  	s5 =	simm.s32 @p1 $0x1;
	p0 =	seq.s32 s7, s2  }
0x1e: {  	s7 =	smul.u32 @!p0 $0xF7A, s2;
	p2 =	seq.s32 @!p0 s5, $0x0  }
0x1f: {  	s9 =	smul.u32 $0xF7A, s1;
	s8 =	simm.s32 @!p0 $0x1BF5;
	p2 =	por !p2, p0  }
0x20: {  	[sflag:s8] =	ssyncset.s32 @!p0 $0xFFFFF086;
	s6 =	sadd.s32 @!p0 s3, s7;
	s7 =	simm.s32 @!p0 $0x108  }
0x21: {  	s3 =	sadd.s32 s3, s9;
	s6 =	sadd.s32 @!p0 $0x88, s6;
	s7 =	simm.s32 @p2 $0x1082  }
0x22: {  	[simem:s7], [sflag:s8] =	dma.local @!p0 [hbm:s6], $0xF7A  }
0x23: {  	s9 =	sor.u32 $0xD0000000, s2;
	s6 =	simm.s32 $0x108;
	_ =	swait.ge @!p0 [sflag:s8], $0x0  }
0x24: {  	s3 =	sadd.s32 $0x88, s3;
	s6 =	simm.s32 @!p1 $0x1082;
	[sflag:s4] =	ssyncset.s32 $0xFFFFF086  }
0x25: {  	[simem:s6], [sflag:s4] =	dma.local [hbm:s3], $0xF7A  }
0x26: {  	[smem:$0x3F9C] =	sst s1;
	(tag) =	ssettag s2;
	_ =	strace s9  }
0x27: {  	s1 =	sld [smem:$0x3FAC]  }
0x28: {  	s2 =	sld [smem:$0x3FAD]  }
0x29: {  	s4 =	sld [smem:$0x3FAF]  }
0x2a: {  	p0 =	seq.s32 s5, $0x0;
	s5 =	sld [smem:$0x3FB0]  }
0x2b: {  	s6 =	sld [smem:$0x3FB1]  }
0x2c: {  	s7 =	sld [smem:$0x3FB2]  }
0x2d: {  	s3 =	simm.s32 $0x108;
	s8 =	sld [smem:$0x3FB3]  }
0x2e: {  	s3 =	simm.s32 @!p0 $0x1082;
	s9 =	sld [smem:$0x3FB4]  }
0x2f: {  	lr =	sadd.s32 s0, s3;
	s0 =	sld [smem:$0x3FAB]  }
0x30: {  	s3 =	sld [smem:$0x3FAE]  }
0x31: {  	[smem:$0x3FB7] =	sst s10  }
0x32: {  	s10 =	sld [smem:$0x3FB5];
	_ =	sdelay $0x3  }
0x33: {  	p0 =	seq.s32 s10, $0x1;
	s10 =	sld [smem:$0x3FB7];
	_ =	sdelay $0x3  }
0x34: {  	[smem:$0x3FB7] =	sst s10  }
0x35: {  	s10 =	sld [smem:$0x3FB6];
	_ =	sdelay $0x3  }
0x36: {  	p1 =	seq.s32 s10, $0x1;
	s10 =	sld [smem:$0x3FB7];
	_ =	sdelay $0x3  }
0x37: {  	[smem:$0x3FB7] =	sst s10  }
0x38: {  	s10 =	sld [smem:$0x3FB8]  }
0x39: {  	_ = 	snop;
	(pc) =	sbr.ind lr, $3  }
0x3a: {  	_ = 	snop  }
0x3b: {  	_ = 	snop  }
0x3c: {  	p2 =	seq.s32 s10, $0x1;
	s10 =	sld [smem:$0x3FB7]  }
0x3d: {  	_ =	shalt  }
0x3e: {  	_ =	shalt  }
0x3f: {  	_ =	shalt  }
0x40: {  	_ =	shalt  }
0x41: {  	_ =	shalt  }
0x42: {  	_ =	shalt  }
0x43: {  	_ =	shalt  }
0x44: {  	_ =	shalt  }
0x45: {  	_ =	shalt  }
0x46: {  	_ =	shalt  }
0x47: {  	_ =	shalt  }
0x48: {  	_ =	shalt  }
0x49: {  	_ =	shalt  }
0x4a: {  	_ =	shalt  }
0x4b: {  	_ =	shalt  }
0x4c: {  	_ =	shalt  }
0x4d: {  	_ =	shalt  }
0x4e: {  	_ =	shalt  }
0x4f: {  	_ =	shalt  }
0x50: {  	_ =	shalt  }
0x51: {  	_ =	shalt  }
0x52: {  	_ =	shalt  }
0x53: {  	_ =	shalt  }
0x54: {  	_ =	shalt  }
0x55: {  	_ =	shalt  }
0x56: {  	_ =	shalt  }
0x57: {  	_ =	shalt  }
0x58: {  	_ =	shalt  }
0x59: {  	_ =	shalt  }
0x5a: {  	_ =	shalt  }
0x5b: {  	_ =	shalt  }
0x5c: {  	_ =	shalt  }
0x5d: {  	_ =	shalt  }
0x5e: {  	_ =	shalt  }
0x5f: {  	_ =	shalt  }
0x60: {  	_ =	shalt  }
0x61: {  	_ =	shalt  }
0x62: {  	_ =	shalt  }
0x63: {  	_ =	shalt  }
0x64: {  	_ =	shalt  }
0x65: {  	_ =	shalt  }
0x66: {  	_ =	shalt  }
0x67: {  	_ =	shalt  }
0x68: {  	_ =	shalt  }
0x69: {  	_ =	shalt  }
0x6a: {  	_ =	shalt  }
0x6b: {  	_ =	shalt  }
0x6c: {  	_ =	shalt  }
0x6d: {  	_ =	shalt  }
0x6e: {  	_ =	shalt  }
0x6f: {  	_ =	shalt  }
0x70: {  	_ =	shalt  }
0x71: {  	_ =	shalt  }
0x72: {  	_ =	shalt  }
0x73: {  	_ =	shalt  }
0x74: {  	_ =	shalt  }
0x75: {  	_ =	shalt  }
0x76: {  	_ =	shalt  }
0x77: {  	_ =	shalt  }
0x78: {  	_ =	shalt  }
0x79: {  	_ =	shalt  }
0x7a: {  	_ =	shalt  }
0x7b: {  	_ =	shalt  }
0x7c: {  	_ =	shalt  }
0x7d: {  	_ =	shalt  }
0x7e: {  	_ =	shalt  }
0x7f: {  	_ =	shalt  }
0x80: {  	_ =	shalt  }
0x81: {  	_ =	shalt  }
0x82: {  	_ =	shalt  }
0x83: {  	_ =	shalt  }
0x84: {  	_ =	shalt  }
0x85: {  	_ =	shalt  }
0x86: {  	_ =	shalt  }
0x87: {  	_ =	shalt  }
.Lfunc_end0:
.L_simem_size_0:
called_computation.2_lowered:
.L_overlay_start_0:
0x88: {  	s2 =	sld [smem:$0x3FD9]  }
0x89: {  	s3 =	sld [smem:$0x3FFE];
	_ =	sdelay $0x1  }
0x8a: {  	s1 =	srdreg.scid  }
0x8b: {  	s0 =	sand.u32 $0x1, s1  }
0x8c: {  	s14 =	sshll.u32 s0, $0xA;
	s2 =	sadd.s32 s3, s2  }
0x8d: {  	s2 =	sadd.s32 s2, s14  }
0x8e: {  	[smem:$0x3FC3] =	sst s2  }
0x8f: {  	_ = 	snop  }
0x90: {  	s2 =	sld [smem:$0x3FD0];
	_ =	sdelay $0x2  }
0x91: {  	s15 =	simm.s32 $0xA;
	s4 =	simm.s32 $0x10  }
0x92: {  	[smem:s4], [sflag:s15] =	dma.local [hbm:s2], $0x1  }
0x93: {  	_ =	swait.eq [sflag:s15], $0x1  }
0x94: {  	[sflag:s15] =	ssyncset.done $0x0  }
0x95: {  	[sflag:s15] =	ssyncadd.s32 $0xFFFFFFFF  }
0x96: {  	s16 =	sld [smem:$0x12];
	(tm) =	ssettm $0x1  }
0x97: {  	s17 =	sld [smem:$0x3FFB];
	_ =	sdelay $0x3  }
0x98: {  	_ =	strace s17  }
0x99: {  	s3 =	sld [smem:$0x3FFC];
	_ =	sdelay $0x3  }
0x9a: {  	_ =	strace s3  }
0x9b: {  	s3 =	sld [smem:$0x3FFD];
	_ =	sdelay $0x3  }
0x9c: {  	_ =	strace s3  }
0x9d: {  	_ =	strace $0x8FFFFFFF  }
0x9e: {  	s18 =	sld [smem:$0x3FDB];
	_ =	sdelay $0x1  }
0x9f: {  	s19 =	simm.s32 $_scs_section_size  }
0xa0: {  	s5 =	simm.s32 $_size__tile_overlayer_lowered;
	s6 =	simm.s32 $_tile_overlayer_lowered  }
0xa1: {  	s22 =	simm.s32 $0x1BFF;
	s21 =	sshll.u32 s6, $0x1;
	s3 =	sadd.s32 s19, s18  }
0xa2: {  	s7 =	simm.s32 $0x0;
	s20 =	sshll.u32 s5, $0x1;
	s5 =	sadd.s32 s21, s3  }
0xa3: {  	[timem:s7], [sflag:s22] =	dma.local [hbm:s5], s20  }
0xa4: {  	_ =	swait.ge [sflag:s22], s20  }
0xa5: {  	s4 =	ssub.s32 $0x0, s20;
	[sflag:s22] =	ssyncset.done $0x0  }
0xa6: {  	[sflag:s22] =	ssyncadd.s32 s4;
	_ =	sdelay $0x1  }
0xa7: {  	s23 =	simm.s32 $0x1B8B  }
0xa8: {  	_ =	swait.ge [sflag:s23], $0x1  }
0xa9: {  	[sflag:s23] =	ssyncset.done $0x0  }
0xaa: {  	s25 =	simm.s32 $0x1B8E;
	s24 =	sld [smem:$0x3FFE];
	[sflag:s23] =	ssyncadd.s32 $0xFFFFFFFF  }
0xab: {  	s26 =	simm.s32 $execute0_lowered;
	[smem:$0x3FD2] =	sst s25  }
0xac: {  	s5 =	sshll.u32 s26, $0x1;
	_ =	strace $0x8000004C;
	[dreg:$0x1] =	wrdreg $0xFFFFFFFF  }
0xad: {  	s28 =	simm.s32 $_size_execute0_lowered;
	s3 =	sadd.s32 s3, s5;
	[dreg:$0x0] =	wrdreg $0x0  }
0xae: {  	s5 =	sshll.u32 s28, $0x1;
	[dreg:$0x2] =	wrdreg s3  }
0xaf: {  	[dreg:$0x3] =	wrdreg s5  }
0xb0: {  	[dreg:$0x4] =	wrdreg $0xC0  }
0xb1: {  	_ =	task [dreg:s7], $0x5FFFF  }
0xb2: {  	[dreg:$0x1] =	wrdreg $0xFFFFFFFF  }
0xb3: {  	[dreg:$0x0] =	wrdreg $0x60  }
0xb4: {  	[dreg:$0x2] =	wrdreg s24  }
0xb5: {  	[dreg:$0x3] =	wrdreg s16  }
0xb6: {  	[dreg:$0x4] =	wrdreg $0x9  }
0xb7: {  	_ =	task.clear_ibuf [dreg:s7], $0x5FFFF;
	_ =	strace $0x9000004C  }
0xb8: {  	s29 =	simm.s32 $0x9;
	_ =	strace $0x8000004E  }
0xb9: {  	_ =	swait.ge [sflag:s29], $0x1  }
0xba: {  	[sflag:s29] =	ssyncadd.s32 $0xFFFFFFFF  }
0xbb: {  	_ =	strace $0x9000004E  }
0xbc: {  	_ =	sfence  }
0xbd: {  	s30 =	sld [smem:$0x0];
	_ =	sdelay $0x2  }
0xbe: {  	s31 =	sshll.u32 s1, $0xD;
	s1 =	sshrl.u32 s1, $0x2  }
0xbf: {  	s3 =	sand.u32 $0x4000, s31;
	s1 =	sadd.s32 s1, s30  }
0xc0: {  	s0 =	sor.u32 s3, s0;
	s1 =	sshll.u32 s1, $0x11  }
0xc1: {  	s0 =	sor.u32 s1, s0  }
0xc2: {  	s0 =	sadd.s32 $0x8F2B, s0  }
0xc3: {  	[sflag:s0] =	ssyncadd.remote.s32 $0x1  }
0xc4: {  	_ =	sfence.sel $0xFFFF  }
0xc5: {  	[dreg:$0x0] =	wrdreg $0xFFFFFFFF;
	(pc) =	sbr.abs _section_cstart, $3  }
0xc6: {  	[dreg:$0x1] =	wrdreg $0xFFFFFFFF  }
0xc7: {  	_ =	task.clear_ibuf [dreg:s7], $0x2FFFF;
	_ =	strace $0x9FFFFFFF  }
0xc8: {  	(tm) =	ssettm $0x7FFFFFFF  }
0xc9: {  	_ =	shalt  }
tec
execute0_lowered:
.L_overlay_start_1:
0x0: {  	(tag) =	ssettag $0x1  }
0x1: {  	s1 =	srdreg.scid  }
0x2: {  	s8 =	rddreg [dreg:$0x0];
	s0 =	stileid.u32  }
0x3: {  	s3 =	rddreg [dreg:$0x1];
	s2 =	simm.s32 $0x0;
	s6 =	sand.u32 $0x1, s1  }
0x4: {  	s4 =	sshll.u32 s0, $0x9;
	s1 =	rddreg [dreg:$0x2];
	s5 =	sshll.u32 s6, $0x8  }
0x5: {  	s7 =	simm.s32 $0x1;
	[smem:$0x7FF] =	sst s2;
	s9 =	sor.u32 s5, s4  }
0x6: {  	_ =	strace $0x8000004D;
	s10 =	ssub.s32 $0x2, s6;
	s4 =	sshrl.u32 s9, $0x3  }
0x7: {  	s6 =	simm.s32 $0x100;
	s4 =	sadd.s32 s3, s4;
	s3 =	simm.s32 $0x2  }
0x8: {  	[tilespmem:s2], [sflag:$0x2] =	stream.linear.gather [hbm4b:s4+s2], $0x100, $0x38;
	[tilespmem:$0x8100] =	vst v63  }
0x9: {  	s5 =	sadd.s32 $0x21A00, s8;
	s11 =	sshrl.u32 s10, $0x1;
	_ =	swait.ge [sflag:s3], $0x100  }
0xa: {  	s9 =	sshll.u32 s9, $0x4;
	s31 =	ssub.s32 s10, s11;
	[sflag:s3] =	ssyncset.done $0x0  }
0xb: {  	s8 =	sadd.s32 s9, s8;
	s9 =	smax.u32 s31, $0x1;
	[sflag:s3] =	ssyncadd.s32 $0xFFFFFF00  }
0xc: {  	[tilespmem:s6], [sflag:$0x1] =	stream.indirect.gather [hbm4b:s5+s6], $0x80, s2, s6, $0xb8;
	[tilespmem:$0x8100] =	vst v63  }
0xd: {  	p0 =	sne.s32 s9, $0x1;
	_ =	swait.ge [sflag:s7], $0x8000  }
.Ltmp0:
0xe: {  	[sflag:s7] =	ssyncset.done $0x0;
	(pc) =	sbr.rel @!p0 .LBB2_2-.Ltmp0, $4  }
0xf: {  	s8 =	sadd.s32 $0x61E00, s8;
	[sflag:s7] =	ssyncadd.s32 $0xFFFF8000  }
0x10: {  	[hbm4b:s8+s2] =	stream.linear.scatter [tilespmem:s6], [sflag:$0x2], $0x8000, $0x38;
	[tilespmem:$0x8100] =	vst v63  }
0x11: {  	_ =	swait.ge [sflag:s3], $0x8000  }
0x12: {  	s9 =	sadd.s32 $0xFFFFFFFF, s9;
	[sflag:s3] =	ssyncset.done $0x0  }
.LBB2_1:
0x13: {  	p0 =	sne.s32 s9, $0x1;
	s9 =	sadd.s32 $0xFFFFFFFF, s9;
	[sflag:s3] =	ssyncadd.s32 $0xFFFF8000  }
0x14: {  	[tilespmem:s2], [sflag:$0x2] =	stream.linear.gather [hbm4b:s4+s2], $0x100, $0x38;
	[tilespmem:$0x8100] =	vst v63  }
0x15: {  	_ =	swait.ge [sflag:s3], $0x100  }
0x16: {  	[sflag:s3] =	ssyncset.done $0x0  }
0x17: {  	[sflag:s3] =	ssyncadd.s32 $0xFFFFFF00  }
0x18: {  	[tilespmem:s6], [sflag:$0x1] =	stream.indirect.gather [hbm4b:s5+s6], $0x80, s2, s6, $0xb8;
	[tilespmem:$0x8100] =	vst v63  }
0x19: {  	_ =	swait.ge [sflag:s7], $0x8000  }
.Ltmp1:
0x1a: {  	[sflag:s7] =	ssyncset.done $0x0;
	(pc) =	sbr.rel @p0 .LBB2_1-.Ltmp1, $4  }
0x1b: {  	[sflag:s7] =	ssyncadd.s32 $0xFFFF8000  }
0x1c: {  	[hbm4b:s8+s2] =	stream.linear.scatter [tilespmem:s6], [sflag:$0x2], $0x8000, $0x38;
	[tilespmem:$0x8100] =	vst v63  }
0x1d: {  	_ =	swait.ge [sflag:s3], $0x8000  }
0x1e: {  	[sflag:s3] =	ssyncset.done $0x0  }
.LBB2_2:
0x1f: {  	[sflag:s3] =	ssyncadd.s32 $0xFFFF8000  }
0x20: {  	_ =	sfence.sel $0x180000  }
0x21: {  	[bflag:$0x0] =	sbarrier.arrive $0xFFFF  }
0x22: {  	p0 =	sne.s32 s0, $0x0;
	_ =	strace $0x9000004D  }
0x23: {  	s0 =	sadd.s32 @!p0 $0x100000, s1;
	[bflag:$0x2] =	sbarrier.arrive $0xFFFF  }
0x24: {  	[sflag:s0] =	ssyncadd.tile.s32 @!p0 $0x1;
	_ =	shalt  }
.Lfunc_end2:
_tile_overlayer_lowered:
.L_overlay_start_2:
0x25: {  	(tag) =	ssettag $0x2  }
0x26: {  	s0 =	rddreg [dreg:$0x0];
	s2 =	stileid.u32  }
0x27: {  	s1 =	rddreg [dreg:$0x1];
	p0 =	sne.s32 s2, $0x0  }
0x28: {  	s3 =	rddreg [dreg:$0x2];
	[bflag:$0x3] =	sbarrier.arrive $0xFFFF;
	s2 =	simm.s32 @!p0 $0x1C02  }
0x29: {  	[timem:s3], [sflag:s2] =	dma.local @!p0 [hbm:s0], s1  }
0x2a: {  	s0 =	simm.s32 @!p0 $0x2  }
0x2b: {  	_ =	swait.ge @!p0 [sflag:s0], s1  }
0x2c: {  	s1 =	ssub.s32 @!p0 $0x0, s1;
	[sflag:s0] =	ssyncset.done @!p0 $0x0  }
0x2d: {  	[sflag:s0] =	ssyncadd.s32 @!p0 s1  }
0x2e: {  	[bflag:$0x3] =	sbarrier.arrive $0xFFFF  }
0x2f: {  	_ =	shalt  }

// kernel: kernel.21.cloned.1.call-start
scs
__scs_entry_jumppad:
0x0: {  	(pc) =	sbr.rel $0x88, $3  }
0x1: {  	(tag) =	ssettag $0x0;
	lr =	simm.s32 $0x1  }
0x2: {  	[smem:$0x3F9C] =	sst lr;
	_ =	strace $0xD0000000  }
0x3: {  	_ = 	snop  }
0x4: {  	_ = 	snop  }
0x5: {  	_ = 	snop  }
0x6: {  	_ = 	snop  }
0x7: {  	_ = 	snop  }
__scs_overlays_trampoline_lowered:
0x8: {  	[smem:$0x3FAB] =	sst s0  }
0x9: {  	[smem:$0x3FAC] =	sst s1  }
0xa: {  	[smem:$0x3FAD] =	sst s2  }
0xb: {  	[smem:$0x3FAE] =	sst s3  }
0xc: {  	[smem:$0x3FAF] =	sst s4  }
0xd: {  	[smem:$0x3FB0] =	sst s5  }
0xe: {  	[smem:$0x3FB1] =	sst s6  }
0xf: {  	[smem:$0x3FB2] =	sst s7  }
0x10: {  	[smem:$0x3FB3] =	sst s8  }
0x11: {  	[smem:$0x3FB4] =	sst s9;
	s0 =	simm.s32 @!p0 $0x0  }
0x12: {  	s1 =	sld [smem:$0x3F9A];
	s0 =	simm.s32 @p0 $0x1  }
0x13: {  	[smem:$0x3FB5] =	sst s0;
	s0 =	simm.s32 @!p1 $0x0  }
0x14: {  	s2 =	sld [smem:$0x3F99];
	s0 =	simm.s32 @p1 $0x1  }
0x15: {  	[smem:$0x3FB6] =	sst s0;
	s0 =	simm.s32 @!p2 $0x0  }
0x16: {  	s3 =	sld [smem:$0x3FDB];
	s0 =	simm.s32 @p2 $0x1  }
0x17: {  	s4 =	simm.s32 $0x1BF5;
	[smem:$0x3FB8] =	sst s0  }
0x18: {  	s0 =	sld [smem:$0x3F9B];
	_ =	swait.ge [sflag:s4], $0x0  }
0x19: {  	s7 =	sld [smem:$0x3F9C]  }
0x1a: {  	s8 =	sadd.s32 $0xFFFFE003, lr  }
0x1b: {  	s9 =	sadd.s32 $0xFFFFFEF7, lr;
	s5 =	simm.s32 $0xFFFFFFFF;
	p2 =	slt.u32 s8, $0xFFFFF086  }
0x1c: {  	p1 =	slt.u32 s9, $0xF7A;
	s5 =	simm.s32 @!p2 $0x0  }
0x1d: {  	s5 =	simm.s32 @p1 $0x1;
	p0 =	seq.s32 s7, s2  }
0x1e: {  	s7 =	smul.u32 @!p0 $0xF7A, s2;
	p2 =	seq.s32 @!p0 s5, $0x0  }
0x1f: {  	s9 =	smul.u32 $0xF7A, s1;
	s8 =	simm.s32 @!p0 $0x1BF5;
	p2 =	por !p2, p0  }
0x20: {  	[sflag:s8] =	ssyncset.s32 @!p0 $0xFFFFF086;
	s6 =	sadd.s32 @!p0 s3, s7;
	s7 =	simm.s32 @!p0 $0x108  }
0x21: {  	s3 =	sadd.s32 s3, s9;
	s6 =	sadd.s32 @!p0 $0x88, s6;
	s7 =	simm.s32 @p2 $0x1082  }
0x22: {  	[simem:s7], [sflag:s8] =	dma.local @!p0 [hbm:s6], $0xF7A  }
0x23: {  	s9 =	sor.u32 $0xD0000000, s2;
	s6 =	simm.s32 $0x108;
	_ =	swait.ge @!p0 [sflag:s8], $0x0  }
0x24: {  	s3 =	sadd.s32 $0x88, s3;
	s6 =	simm.s32 @!p1 $0x1082;
	[sflag:s4] =	ssyncset.s32 $0xFFFFF086  }
0x25: {  	[simem:s6], [sflag:s4] =	dma.local [hbm:s3], $0xF7A  }
0x26: {  	[smem:$0x3F9C] =	sst s1;
	(tag) =	ssettag s2;
	_ =	strace s9  }
0x27: {  	s1 =	sld [smem:$0x3FAC]  }
0x28: {  	s2 =	sld [smem:$0x3FAD]  }
0x29: {  	s4 =	sld [smem:$0x3FAF]  }
0x2a: {  	p0 =	seq.s32 s5, $0x0;
	s5 =	sld [smem:$0x3FB0]  }
0x2b: {  	s6 =	sld [smem:$0x3FB1]  }
0x2c: {  	s7 =	sld [smem:$0x3FB2]  }
0x2d: {  	s3 =	simm.s32 $0x108;
	s8 =	sld [smem:$0x3FB3]  }
0x2e: {  	s3 =	simm.s32 @!p0 $0x1082;
	s9 =	sld [smem:$0x3FB4]  }
0x2f: {  	lr =	sadd.s32 s0, s3;
	s0 =	sld [smem:$0x3FAB]  }
0x30: {  	s3 =	sld [smem:$0x3FAE]  }
0x31: {  	[smem:$0x3FB7] =	sst s10  }
0x32: {  	s10 =	sld [smem:$0x3FB5];
	_ =	sdelay $0x3  }
0x33: {  	p0 =	seq.s32 s10, $0x1;
	s10 =	sld [smem:$0x3FB7];
	_ =	sdelay $0x3  }
0x34: {  	[smem:$0x3FB7] =	sst s10  }
0x35: {  	s10 =	sld [smem:$0x3FB6];
	_ =	sdelay $0x3  }
0x36: {  	p1 =	seq.s32 s10, $0x1;
	s10 =	sld [smem:$0x3FB7];
	_ =	sdelay $0x3  }
0x37: {  	[smem:$0x3FB7] =	sst s10  }
0x38: {  	s10 =	sld [smem:$0x3FB8]  }
0x39: {  	_ = 	snop;
	(pc) =	sbr.ind lr, $3  }
0x3a: {  	_ = 	snop  }
0x3b: {  	_ = 	snop  }
0x3c: {  	p2 =	seq.s32 s10, $0x1;
	s10 =	sld [smem:$0x3FB7]  }
0x3d: {  	_ =	shalt  }
0x3e: {  	_ =	shalt  }
0x3f: {  	_ =	shalt  }
0x40: {  	_ =	shalt  }
0x41: {  	_ =	shalt  }
0x42: {  	_ =	shalt  }
0x43: {  	_ =	shalt  }
0x44: {  	_ =	shalt  }
0x45: {  	_ =	shalt  }
0x46: {  	_ =	shalt  }
0x47: {  	_ =	shalt  }
0x48: {  	_ =	shalt  }
0x49: {  	_ =	shalt  }
0x4a: {  	_ =	shalt  }
0x4b: {  	_ =	shalt  }
0x4c: {  	_ =	shalt  }
0x4d: {  	_ =	shalt  }
0x4e: {  	_ =	shalt  }
0x4f: {  	_ =	shalt  }
0x50: {  	_ =	shalt  }
0x51: {  	_ =	shalt  }
0x52: {  	_ =	shalt  }
0x53: {  	_ =	shalt  }
0x54: {  	_ =	shalt  }
0x55: {  	_ =	shalt  }
0x56: {  	_ =	shalt  }
0x57: {  	_ =	shalt  }
0x58: {  	_ =	shalt  }
0x59: {  	_ =	shalt  }
0x5a: {  	_ =	shalt  }
0x5b: {  	_ =	shalt  }
0x5c: {  	_ =	shalt  }
0x5d: {  	_ =	shalt  }
0x5e: {  	_ =	shalt  }
0x5f: {  	_ =	shalt  }
0x60: {  	_ =	shalt  }
0x61: {  	_ =	shalt  }
0x62: {  	_ =	shalt  }
0x63: {  	_ =	shalt  }
0x64: {  	_ =	shalt  }
0x65: {  	_ =	shalt  }
0x66: {  	_ =	shalt  }
0x67: {  	_ =	shalt  }
0x68: {  	_ =	shalt  }
0x69: {  	_ =	shalt  }
0x6a: {  	_ =	shalt  }
0x6b: {  	_ =	shalt  }
0x6c: {  	_ =	shalt  }
0x6d: {  	_ =	shalt  }
0x6e: {  	_ =	shalt  }
0x6f: {  	_ =	shalt  }
0x70: {  	_ =	shalt  }
0x71: {  	_ =	shalt  }
0x72: {  	_ =	shalt  }
0x73: {  	_ =	shalt  }
0x74: {  	_ =	shalt  }
0x75: {  	_ =	shalt  }
0x76: {  	_ =	shalt  }
0x77: {  	_ =	shalt  }
0x78: {  	_ =	shalt  }
0x79: {  	_ =	shalt  }
0x7a: {  	_ =	shalt  }
0x7b: {  	_ =	shalt  }
0x7c: {  	_ =	shalt  }
0x7d: {  	_ =	shalt  }
0x7e: {  	_ =	shalt  }
0x7f: {  	_ =	shalt  }
0x80: {  	_ =	shalt  }
0x81: {  	_ =	shalt  }
0x82: {  	_ =	shalt  }
0x83: {  	_ =	shalt  }
0x84: {  	_ =	shalt  }
0x85: {  	_ =	shalt  }
0x86: {  	_ =	shalt  }
0x87: {  	_ =	shalt  }
.Lfunc_end0:
.L_simem_size_0:
called_computation.3_lowered:
.L_overlay_start_0:
0x88: {  	s2 =	sld [smem:$0x3FD9]  }
0x89: {  	s3 =	sld [smem:$0x3FFE];
	_ =	sdelay $0x1  }
0x8a: {  	s1 =	srdreg.scid  }
0x8b: {  	s0 =	sand.u32 $0x1, s1  }
0x8c: {  	s16 =	sshll.u32 s0, $0xA;
	s2 =	sadd.s32 s3, s2  }
0x8d: {  	s2 =	sadd.s32 s2, s16  }
0x8e: {  	[smem:$0x3FC3] =	sst s2  }
0x8f: {  	_ = 	snop  }
0x90: {  	(tm) =	ssettm $0x1  }
0x91: {  	s17 =	sld [smem:$0x3FFB];
	_ =	sdelay $0x3  }
0x92: {  	_ =	strace s17  }
0x93: {  	s2 =	sld [smem:$0x3FFC];
	_ =	sdelay $0x3  }
0x94: {  	_ =	strace s2  }
0x95: {  	s2 =	sld [smem:$0x3FFD];
	_ =	sdelay $0x3  }
0x96: {  	_ =	strace s2  }
0x97: {  	_ =	strace $0x8FFFFFFF  }
0x98: {  	s18 =	sld [smem:$0x3FDB];
	_ =	sdelay $0x1  }
0x99: {  	s19 =	simm.s32 $_scs_section_size  }
0x9a: {  	s4 =	simm.s32 $_size__tile_overlayer_lowered;
	s5 =	simm.s32 $_tile_overlayer_lowered  }
0x9b: {  	s22 =	simm.s32 $0x1BFF;
	s21 =	sshll.u32 s5, $0x1;
	s2 =	sadd.s32 s19, s18  }
0x9c: {  	s6 =	simm.s32 $0x0;
	s20 =	sshll.u32 s4, $0x1;
	s4 =	sadd.s32 s21, s2  }
0x9d: {  	[timem:s6], [sflag:s22] =	dma.local [hbm:s4], s20  }
0x9e: {  	_ =	swait.ge [sflag:s22], s20  }
0x9f: {  	s3 =	ssub.s32 $0x0, s20;
	[sflag:s22] =	ssyncset.done $0x0  }
0xa0: {  	[sflag:s22] =	ssyncadd.s32 s3;
	_ =	sdelay $0x1  }
0xa1: {  	s23 =	simm.s32 $0x1B8B  }
0xa2: {  	_ =	swait.ge [sflag:s23], $0x1  }
0xa3: {  	[sflag:s23] =	ssyncset.done $0x0  }
0xa4: {  	s25 =	simm.s32 $0x1B8E;
	s24 =	sld [smem:$0x3FFE];
	[sflag:s23] =	ssyncadd.s32 $0xFFFFFFFF  }
0xa5: {  	s26 =	simm.s32 $execute0_lowered;
	[smem:$0x3FD2] =	sst s25  }
0xa6: {  	s4 =	sshll.u32 s26, $0x1;
	_ =	strace $0x8000004F;
	[dreg:$0x1] =	wrdreg $0xFFFFFFFF  }
0xa7: {  	s28 =	simm.s32 $_size_execute0_lowered;
	s2 =	sadd.s32 s2, s4;
	[dreg:$0x0] =	wrdreg $0x0  }
0xa8: {  	s4 =	sshll.u32 s28, $0x1;
	[dreg:$0x2] =	wrdreg s2  }
0xa9: {  	[dreg:$0x3] =	wrdreg s4  }
0xaa: {  	[dreg:$0x4] =	wrdreg $0xC0  }
0xab: {  	_ =	task [dreg:s6], $0x5FFFF  }
0xac: {  	[dreg:$0x1] =	wrdreg $0xFFFFFFFF  }
0xad: {  	[dreg:$0x0] =	wrdreg $0x60  }
0xae: {  	[dreg:$0x2] =	wrdreg s24  }
0xaf: {  	[dreg:$0x3] =	wrdreg $0x9  }
0xb0: {  	_ =	task.clear_ibuf [dreg:s6], $0x4FFFF;
	_ =	strace $0x9000004F  }
0xb1: {  	s29 =	simm.s32 $0x9;
	_ =	strace $0x80000051  }
0xb2: {  	_ =	swait.ge [sflag:s29], $0x1  }
0xb3: {  	[sflag:s29] =	ssyncadd.s32 $0xFFFFFFFF  }
0xb4: {  	_ =	strace $0x90000051  }
0xb5: {  	_ =	sfence  }
0xb6: {  	s30 =	sld [smem:$0x0];
	_ =	sdelay $0x2  }
0xb7: {  	s31 =	sshll.u32 s1, $0xD;
	s1 =	sshrl.u32 s1, $0x2  }
0xb8: {  	s3 =	sand.u32 $0x4000, s31;
	s1 =	sadd.s32 s1, s30  }
0xb9: {  	s0 =	sor.u32 s3, s0;
	s1 =	sshll.u32 s1, $0x11  }
0xba: {  	s0 =	sor.u32 s1, s0  }
0xbb: {  	s0 =	sadd.s32 $0x8F2B, s0  }
0xbc: {  	[sflag:s0] =	ssyncadd.remote.s32 $0x1  }
0xbd: {  	_ =	sfence.sel $0xFFFF  }
0xbe: {  	[dreg:$0x0] =	wrdreg $0xFFFFFFFF;
	(pc) =	sbr.abs _section_cstart, $3  }
0xbf: {  	[dreg:$0x1] =	wrdreg $0xFFFFFFFF  }
0xc0: {  	_ =	task.clear_ibuf [dreg:s6], $0x2FFFF;
	_ =	strace $0x9FFFFFFF  }
0xc1: {  	(tm) =	ssettm $0x7FFFFFFF  }
tec
execute0_lowered:
.L_overlay_start_1:
0x0: {  	(tag) =	ssettag $0x1  }
0x1: {  	s1 =	srdreg.scid  }
0x2: {  	s0 =	stileid.u32;
	s6 =	sand.u32 $0x1, s1  }
0x3: {  	s8 =	rddreg [dreg:$0x0];
	s30 =	sshll.u32 s0, $0x9;
	s2 =	sshll.u32 s6, $0x8  }
0x4: {  	s7 =	simm.s32 $0x1;
	s1 =	rddreg [dreg:$0x1];
	s9 =	sor.u32 s2, s30  }
0x5: {  	s5 =	sadd.s32 $0x41C00, s8;
	s2 =	simm.s32 $0x0;
	s3 =	sshrl.u32 s9, $0x3  }
0x6: {  	s10 =	ssub.s32 $0x2, s6;
	[smem:$0x7FF] =	sst s2;
	s3 =	sadd.s32 s3, s8  }
0x7: {  	_ =	strace $0x80000050;
	s4 =	sadd.s32 $0x21800, s3;
	s3 =	simm.s32 $0x2  }
0x8: {  	[tilespmem:s2], [sflag:$0x2] =	stream.linear.gather [hbm4b:s4+s2], $0x100, $0x38;
	[tilespmem:$0x8100] =	vst v63  }
0x9: {  	s6 =	simm.s32 $0x100;
	s11 =	sshrl.u32 s10, $0x1;
	_ =	swait.ge [sflag:s3], $0x100  }
0xa: {  	s9 =	sshll.u32 s9, $0x4;
	s31 =	ssub.s32 s10, s11;
	[sflag:s3] =	ssyncset.done $0x0  }
0xb: {  	s8 =	sadd.s32 s9, s8;
	s9 =	smax.u32 s31, $0x1;
	[sflag:s3] =	ssyncadd.s32 $0xFFFFFF00  }
0xc: {  	[tilespmem:s6], [sflag:$0x1] =	stream.indirect.gather [hbm4b:s5+s6], $0x80, s2, s6, $0xb8;
	[tilespmem:$0x8100] =	vst v63  }
0xd: {  	p0 =	sne.s32 s9, $0x1;
	_ =	swait.ge [sflag:s7], $0x8000  }
.Ltmp0:
0xe: {  	[sflag:s7] =	ssyncset.done $0x0;
	(pc) =	sbr.rel @!p0 .LBB2_2-.Ltmp0, $4  }
0xf: {  	s8 =	sadd.s32 $0x61E00, s8;
	[sflag:s7] =	ssyncadd.s32 $0xFFFF8000  }
0x10: {  	[hbm4b:s8+s2] =	stream.linear.scatter [tilespmem:s6], [sflag:$0x2], $0x8000, $0x38;
	[tilespmem:$0x8100] =	vst v63  }
0x11: {  	_ =	swait.ge [sflag:s3], $0x8000  }
0x12: {  	s9 =	sadd.s32 $0xFFFFFFFF, s9;
	[sflag:s3] =	ssyncset.done $0x0  }
.LBB2_1:
0x13: {  	p0 =	sne.s32 s9, $0x1;
	s9 =	sadd.s32 $0xFFFFFFFF, s9;
	[sflag:s3] =	ssyncadd.s32 $0xFFFF8000  }
0x14: {  	[tilespmem:s2], [sflag:$0x2] =	stream.linear.gather [hbm4b:s4+s2], $0x100, $0x38;
	[tilespmem:$0x8100] =	vst v63  }
0x15: {  	_ =	swait.ge [sflag:s3], $0x100  }
0x16: {  	[sflag:s3] =	ssyncset.done $0x0  }
0x17: {  	[sflag:s3] =	ssyncadd.s32 $0xFFFFFF00  }
0x18: {  	[tilespmem:s6], [sflag:$0x1] =	stream.indirect.gather [hbm4b:s5+s6], $0x80, s2, s6, $0xb8;
	[tilespmem:$0x8100] =	vst v63  }
0x19: {  	_ =	swait.ge [sflag:s7], $0x8000  }
.Ltmp1:
0x1a: {  	[sflag:s7] =	ssyncset.done $0x0;
	(pc) =	sbr.rel @p0 .LBB2_1-.Ltmp1, $4  }
0x1b: {  	[sflag:s7] =	ssyncadd.s32 $0xFFFF8000  }
0x1c: {  	[hbm4b:s8+s2] =	stream.linear.scatter [tilespmem:s6], [sflag:$0x2], $0x8000, $0x38;
	[tilespmem:$0x8100] =	vst v63  }
0x1d: {  	_ =	swait.ge [sflag:s3], $0x8000  }
0x1e: {  	[sflag:s3] =	ssyncset.done $0x0  }
.LBB2_2:
0x1f: {  	[sflag:s3] =	ssyncadd.s32 $0xFFFF8000  }
0x20: {  	_ =	sfence.sel $0x180000  }
0x21: {  	[bflag:$0x0] =	sbarrier.arrive $0xFFFF  }
0x22: {  	p0 =	sne.s32 s0, $0x0;
	_ =	strace $0x90000050  }
0x23: {  	s0 =	sadd.s32 @!p0 $0x100000, s1;
	[bflag:$0x2] =	sbarrier.arrive $0xFFFF  }
0x24: {  	[sflag:s0] =	ssyncadd.tile.s32 @!p0 $0x1;
	_ =	shalt  }
.Lfunc_end2:
_tile_overlayer_lowered:
.L_overlay_start_2:
0x25: {  	(tag) =	ssettag $0x2  }
0x26: {  	s0 =	rddreg [dreg:$0x0];
	s2 =	stileid.u32  }
0x27: {  	s1 =	rddreg [dreg:$0x1];
	p0 =	sne.s32 s2, $0x0  }
0x28: {  	s3 =	rddreg [dreg:$0x2];
	[bflag:$0x3] =	sbarrier.arrive $0xFFFF;
	s2 =	simm.s32 @!p0 $0x1C02  }
0x29: {  	[timem:s3], [sflag:s2] =	dma.local @!p0 [hbm:s0], s1  }
0x2a: {  	s0 =	simm.s32 @!p0 $0x2  }
0x2b: {  	_ =	swait.ge @!p0 [sflag:s0], s1  }
0x2c: {  	s1 =	ssub.s32 @!p0 $0x0, s1;
	[sflag:s0] =	ssyncset.done @!p0 $0x0  }
0x2d: {  	[sflag:s0] =	ssyncadd.s32 @!p0 s1  }
0x2e: {  	[bflag:$0x3] =	sbarrier.arrive $0xFFFF  }
0x2f: {  	_ =	shalt  }

</sc_bundles>
